<compile_context>
chip_gen: v7x
topology: tpu7x:2x2x1
jax: 0.10.2.dev20260603
libtpu: 0.0.44.dev20260713+nightly
codegen_flags: <defaults>
</compile_context>

<pallas_src>
import functools

import jax
import jax.numpy as jnp
from jax import lax
from jax.experimental import pallas as pl
from jax.experimental.pallas import tpu as pltpu
from jax.experimental.pallas import tpu_sc as plsc

_NC = 2
_NS = 16
_NW = _NC * _NS

_CHUNK = 64


def _sc_gather_broadcast(batch, num_pos, d_model, table_rows):
    p_per_w = num_pos // _NW
    n_chunks = p_per_w // _CHUNK
    mesh = plsc.VectorSubcoreMesh(
        core_axis_name="c", subcore_axis_name="s",
        num_cores=_NC, num_subcores=_NS)

    @functools.partial(
        pl.kernel,
        out_type=jax.ShapeDtypeStruct((batch, num_pos, d_model), jnp.float32),
        mesh=mesh,
        scratch_types=[
            pltpu.VMEM((p_per_w,), jnp.int32),
            pltpu.VMEM((_CHUNK, d_model), jnp.float32),
            pltpu.SemaphoreType.DMA,
        ],
    )
    def k(table_hbm, idx_hbm, out_hbm, idx_v, rows_v, sem):
        wid = lax.axis_index("s") * _NC + lax.axis_index("c")
        base = wid * p_per_w
        pltpu.sync_copy(idx_hbm.at[pl.ds(base, p_per_w)], idx_v)
        for c in range(n_chunks):
            pltpu.async_copy(
                table_hbm.at[idx_v.at[pl.ds(c * _CHUNK, _CHUNK)]],
                rows_v, sem).wait()
            start = base + c * _CHUNK
            for b in range(batch):
                pltpu.sync_copy(rows_v, out_hbm.at[b, pl.ds(start, _CHUNK)])

    return k


def kernel(rsa_embeddings, W_timestep, past_kv_pos_offset):
    batch, num_pos, _ = rsa_embeddings.shape
    table_rows, d_model = W_timestep.shape
    offset = jnp.asarray(past_kv_pos_offset, dtype=jnp.int32)
    idx = jnp.clip((jnp.arange(num_pos, dtype=jnp.int32) + offset) // 3,
                   0, table_rows - 1)
    k = _sc_gather_broadcast(batch, num_pos, d_model, table_rows)
    return k(W_timestep, idx)

# --- scband reference (transcript-rebuilt; emitter-appended) ---
"""Pipeline reference for scband-rsapos-embed-4140348473361 (READ-ONLY COPY).

The authoritative reference and input builder live on the scoring server;
editing this copy changes nothing except your own understanding.
"""

import jax, jax.numpy as jnp
import numpy as np


def setup_inputs(seed: int = 0) -> dict:
    key = jax.random.key(seed)
    k1, k2 = jax.random.split(key)
    rsa_embeddings = jax.random.normal(k1, (4, 8192, 1024), dtype=jnp.float32)
    W_timestep = jax.random.normal(k2, (4096, 1024), dtype=jnp.float32) * 0.02
    return {"rsa_embeddings": rsa_embeddings, "W_timestep": W_timestep, "past_kv_pos_offset": 0}


def reference(rsa_embeddings, W_timestep, past_kv_pos_offset=0):
    num_pos = rsa_embeddings.shape[1]
    batch = rsa_embeddings.shape[0]
    offset = jnp.asarray(past_kv_pos_offset, dtype=jnp.int32)
    timestep_indices = (jnp.arange(num_pos, dtype=jnp.int32) + offset) // 3
    pos_embed = jnp.take(W_timestep, timestep_indices, axis=0)
    broadcast_pos_embed = jnp.broadcast_to(pos_embed[None, :, :], (batch, num_pos, pos_embed.shape[1]))
    return broadcast_pos_embed

if __name__ == "__main__":
    import jax
    _d = setup_inputs()
    print(jax.jit(kernel)(*tuple(_d.values())))

</pallas_src>

<mosaic_0001>
#map = affine_map<(d0, d1) -> (0, 0)>
#map1 = affine_map<(d0, d1) -> (0)>
#map2 = affine_map<(d0, d1) -> (0, 0, 0)>
module attributes {stable_mosaic.version = 14 : i64} {
  func.func @k(%arg0: i32, %arg1: i32, %arg2: memref<4096x1024xf32, #tpu.memory_space<hbm>>, %arg3: memref<8192xi32, #tpu.memory_space<hbm>>, %arg4: memref<4x8192x1024xf32, #tpu.memory_space<hbm>>, %arg5: memref<256xi32, #tpu.memory_space<vmem>>, %arg6: memref<64x1024xf32, #tpu.memory_space<vmem>>, %arg7: memref<!tpu.dma_semaphore, #tpu.memory_space<semaphore_mem>>) attributes {dimension_semantics = [#tpu.dimension_semantics<core_parallel>, #tpu.dimension_semantics<subcore_parallel>], iteration_bounds = array<i64: 2, 16>, scalar_prefetch = 0 : i64, scratch_operands = 3 : i64, tpu.core_type = #tpu.core_type<sc_vector_subcore>, window_params = [{transform_indices = #map}, {transform_indices = #map1}, {transform_indices = #map2}]} {
    %mul3A = arith.constant 2 : i32
    %mul3A_0 = arith.muli %arg1, %mul3A : i32
    %add3A = arith.addi %mul3A_0, %arg0 : i32
    %mul3A_1 = arith.constant 256 : i32
    %mul3A_2 = arith.muli %add3A, %mul3A_1 : i32
    "tpu.region"() ({
      %run_scoped3A_64 = tpu.sem_alloc : memref<!tpu.dma_semaphore, #tpu.memory_space<semaphore_mem>>
      %dma_start3A_65 = tpu.memref_slice %arg3[%mul3A_2] : memref<8192xi32, #tpu.memory_space<hbm>> -> memref<256xi32, #tpu.memory_space<hbm>>
      %dma_start3A_66 = tpu.memref_slice %arg3[%mul3A_2] : memref<8192xi32, #tpu.memory_space<hbm>> -> memref<256xi32, #tpu.memory_space<hbm>>
      tpu.enqueue_dma source(%dma_start3A_66 : memref<256xi32, #tpu.memory_space<hbm>>) target(%arg5 : memref<256xi32, #tpu.memory_space<vmem>>) target_semaphore(%run_scoped3A_64 : memref<!tpu.dma_semaphore, #tpu.memory_space<semaphore_mem>>)
      %dma_wait3A_67 = tpu.memref_slice %arg3[%mul3A_2] : memref<8192xi32, #tpu.memory_space<hbm>> -> memref<256xi32, #tpu.memory_space<hbm>>
      %dma_wait3A_68 = tpu.memref_slice %arg3[%mul3A_2] : memref<8192xi32, #tpu.memory_space<hbm>> -> memref<256xi32, #tpu.memory_space<hbm>>
      tpu.wait_dma2 semaphore(%run_scoped3A_64 : memref<!tpu.dma_semaphore, #tpu.memory_space<semaphore_mem>>) src(%dma_wait3A_68 : memref<256xi32, #tpu.memory_space<hbm>>) dst(%arg5 : memref<256xi32, #tpu.memory_space<vmem>>)
      tpu.yield
    }) : () -> ()
    %dma_start3A = arith.constant 0 : i32
    %dma_start3A_3 = tpu.memref_slice %arg5[%dma_start3A] : memref<256xi32, #tpu.memory_space<vmem>> -> memref<64xi32, #tpu.memory_space<vmem>>
    %dma_start3A_4 = arith.constant 0 : i32
    %dma_start3A_5 = arith.constant 0 : i32
    %dma_start3A_6 = tpu.memref_slice %arg2[%dma_start3A_4, %dma_start3A_5] : memref<4096x1024xf32, #tpu.memory_space<hbm>> -> memref<4096x1024xf32, #tpu.memory_space<hbm>>
    tpu.enqueue_indirect_dma source(%dma_start3A_6 : memref<4096x1024xf32, #tpu.memory_space<hbm>>) target(%arg6 : memref<64x1024xf32, #tpu.memory_space<vmem>>) offsets(%dma_start3A_3 : memref<64xi32, #tpu.memory_space<vmem>>) semaphore(%arg7 : memref<!tpu.dma_semaphore, #tpu.memory_space<semaphore_mem>>)
    %dma_wait3A = arith.constant 0 : i32
    %dma_wait3A_7 = tpu.memref_slice %arg5[%dma_wait3A] : memref<256xi32, #tpu.memory_space<vmem>> -> memref<64xi32, #tpu.memory_space<vmem>>
    %dma_wait3A_8 = arith.constant 0 : i32
    %dma_wait3A_9 = arith.constant 0 : i32
    %dma_wait3A_10 = tpu.memref_slice %arg2[%dma_wait3A_8, %dma_wait3A_9] : memref<4096x1024xf32, #tpu.memory_space<hbm>> -> memref<4096x1024xf32, #tpu.memory_space<hbm>>
    tpu.wait_indirect_dma semaphore(%arg7 : memref<!tpu.dma_semaphore, #tpu.memory_space<semaphore_mem>>) src(%dma_wait3A_10 : memref<4096x1024xf32, #tpu.memory_space<hbm>>) dst(%arg6 : memref<64x1024xf32, #tpu.memory_space<vmem>>)
    %add3A_11 = arith.constant 0 : i32
    %add3A_12 = arith.addi %mul3A_2, %add3A_11 : i32
    %run_scoped3A = arith.constant 0 : i32
    "tpu.region"() ({
      %run_scoped3A_64 = tpu.sem_alloc : memref<!tpu.dma_semaphore, #tpu.memory_space<semaphore_mem>>
      %dma_start3A_65 = arith.constant 0 : i32
      %dma_start3A_66 = tpu.memref_slice %arg4[%run_scoped3A, %add3A_12, %dma_start3A_65] : memref<4x8192x1024xf32, #tpu.memory_space<hbm>> -> memref<1x64x1024xf32, #tpu.memory_space<hbm>>
      %dma_start3A_67 = tpu.memref_squeeze %dma_start3A_66 : memref<1x64x1024xf32, #tpu.memory_space<hbm>> -> memref<64x1024xf32, #tpu.memory_space<hbm>>
      %dma_start3A_68 = arith.constant 0 : i32
      %dma_start3A_69 = tpu.memref_slice %arg4[%run_scoped3A, %add3A_12, %dma_start3A_68] : memref<4x8192x1024xf32, #tpu.memory_space<hbm>> -> memref<1x64x1024xf32, #tpu.memory_space<hbm>>
      %dma_start3A_70 = tpu.memref_squeeze %dma_start3A_69 : memref<1x64x1024xf32, #tpu.memory_space<hbm>> -> memref<64x1024xf32, #tpu.memory_space<hbm>>
      tpu.enqueue_dma source(%arg6 : memref<64x1024xf32, #tpu.memory_space<vmem>>) target(%dma_start3A_70 : memref<64x1024xf32, #tpu.memory_space<hbm>>) target_semaphore(%run_scoped3A_64 : memref<!tpu.dma_semaphore, #tpu.memory_space<semaphore_mem>>)
      %dma_wait3A_71 = arith.constant 0 : i32
      %dma_wait3A_72 = tpu.memref_slice %arg4[%run_scoped3A, %add3A_12, %dma_wait3A_71] : memref<4x8192x1024xf32, #tpu.memory_space<hbm>> -> memref<1x64x1024xf32, #tpu.memory_space<hbm>>
      %dma_wait3A_73 = tpu.memref_squeeze %dma_wait3A_72 : memref<1x64x1024xf32, #tpu.memory_space<hbm>> -> memref<64x1024xf32, #tpu.memory_space<hbm>>
      %dma_wait3A_74 = arith.constant 0 : i32
      %dma_wait3A_75 = tpu.memref_slice %arg4[%run_scoped3A, %add3A_12, %dma_wait3A_74] : memref<4x8192x1024xf32, #tpu.memory_space<hbm>> -> memref<1x64x1024xf32, #tpu.memory_space<hbm>>
      %dma_wait3A_76 = tpu.memref_squeeze %dma_wait3A_75 : memref<1x64x1024xf32, #tpu.memory_space<hbm>> -> memref<64x1024xf32, #tpu.memory_space<hbm>>
      tpu.wait_dma2 semaphore(%run_scoped3A_64 : memref<!tpu.dma_semaphore, #tpu.memory_space<semaphore_mem>>) src(%arg6 : memref<64x1024xf32, #tpu.memory_space<vmem>>) dst(%dma_wait3A_76 : memref<64x1024xf32, #tpu.memory_space<hbm>>)
      tpu.yield
    }) : () -> ()
    %run_scoped3A_13 = arith.constant 1 : i32
    "tpu.region"() ({
      %run_scoped3A_64 = tpu.sem_alloc : memref<!tpu.dma_semaphore, #tpu.memory_space<semaphore_mem>>
      %dma_start3A_65 = arith.constant 0 : i32
      %dma_start3A_66 = tpu.memref_slice %arg4[%run_scoped3A_13, %add3A_12, %dma_start3A_65] : memref<4x8192x1024xf32, #tpu.memory_space<hbm>> -> memref<1x64x1024xf32, #tpu.memory_space<hbm>>
      %dma_start3A_67 = tpu.memref_squeeze %dma_start3A_66 : memref<1x64x1024xf32, #tpu.memory_space<hbm>> -> memref<64x1024xf32, #tpu.memory_space<hbm>>
      %dma_start3A_68 = arith.constant 0 : i32
      %dma_start3A_69 = tpu.memref_slice %arg4[%run_scoped3A_13, %add3A_12, %dma_start3A_68] : memref<4x8192x1024xf32, #tpu.memory_space<hbm>> -> memref<1x64x1024xf32, #tpu.memory_space<hbm>>
      %dma_start3A_70 = tpu.memref_squeeze %dma_start3A_69 : memref<1x64x1024xf32, #tpu.memory_space<hbm>> -> memref<64x1024xf32, #tpu.memory_space<hbm>>
      tpu.enqueue_dma source(%arg6 : memref<64x1024xf32, #tpu.memory_space<vmem>>) target(%dma_start3A_70 : memref<64x1024xf32, #tpu.memory_space<hbm>>) target_semaphore(%run_scoped3A_64 : memref<!tpu.dma_semaphore, #tpu.memory_space<semaphore_mem>>)
      %dma_wait3A_71 = arith.constant 0 : i32
      %dma_wait3A_72 = tpu.memref_slice %arg4[%run_scoped3A_13, %add3A_12, %dma_wait3A_71] : memref<4x8192x1024xf32, #tpu.memory_space<hbm>> -> memref<1x64x1024xf32, #tpu.memory_space<hbm>>
      %dma_wait3A_73 = tpu.memref_squeeze %dma_wait3A_72 : memref<1x64x1024xf32, #tpu.memory_space<hbm>> -> memref<64x1024xf32, #tpu.memory_space<hbm>>
      %dma_wait3A_74 = arith.constant 0 : i32
      %dma_wait3A_75 = tpu.memref_slice %arg4[%run_scoped3A_13, %add3A_12, %dma_wait3A_74] : memref<4x8192x1024xf32, #tpu.memory_space<hbm>> -> memref<1x64x1024xf32, #tpu.memory_space<hbm>>
      %dma_wait3A_76 = tpu.memref_squeeze %dma_wait3A_75 : memref<1x64x1024xf32, #tpu.memory_space<hbm>> -> memref<64x1024xf32, #tpu.memory_space<hbm>>
      tpu.wait_dma2 semaphore(%run_scoped3A_64 : memref<!tpu.dma_semaphore, #tpu.memory_space<semaphore_mem>>) src(%arg6 : memref<64x1024xf32, #tpu.memory_space<vmem>>) dst(%dma_wait3A_76 : memref<64x1024xf32, #tpu.memory_space<hbm>>)
      tpu.yield
    }) : () -> ()
    %run_scoped3A_14 = arith.constant 2 : i32
    "tpu.region"() ({
      %run_scoped3A_64 = tpu.sem_alloc : memref<!tpu.dma_semaphore, #tpu.memory_space<semaphore_mem>>
      %dma_start3A_65 = arith.constant 0 : i32
      %dma_start3A_66 = tpu.memref_slice %arg4[%run_scoped3A_14, %add3A_12, %dma_start3A_65] : memref<4x8192x1024xf32, #tpu.memory_space<hbm>> -> memref<1x64x1024xf32, #tpu.memory_space<hbm>>
      %dma_start3A_67 = tpu.memref_squeeze %dma_start3A_66 : memref<1x64x1024xf32, #tpu.memory_space<hbm>> -> memref<64x1024xf32, #tpu.memory_space<hbm>>
      %dma_start3A_68 = arith.constant 0 : i32
      %dma_start3A_69 = tpu.memref_slice %arg4[%run_scoped3A_14, %add3A_12, %dma_start3A_68] : memref<4x8192x1024xf32, #tpu.memory_space<hbm>> -> memref<1x64x1024xf32, #tpu.memory_space<hbm>>
      %dma_start3A_70 = tpu.memref_squeeze %dma_start3A_69 : memref<1x64x1024xf32, #tpu.memory_space<hbm>> -> memref<64x1024xf32, #tpu.memory_space<hbm>>
      tpu.enqueue_dma source(%arg6 : memref<64x1024xf32, #tpu.memory_space<vmem>>) target(%dma_start3A_70 : memref<64x1024xf32, #tpu.memory_space<hbm>>) target_semaphore(%run_scoped3A_64 : memref<!tpu.dma_semaphore, #tpu.memory_space<semaphore_mem>>)
      %dma_wait3A_71 = arith.constant 0 : i32
      %dma_wait3A_72 = tpu.memref_slice %arg4[%run_scoped3A_14, %add3A_12, %dma_wait3A_71] : memref<4x8192x1024xf32, #tpu.memory_space<hbm>> -> memref<1x64x1024xf32, #tpu.memory_space<hbm>>
      %dma_wait3A_73 = tpu.memref_squeeze %dma_wait3A_72 : memref<1x64x1024xf32, #tpu.memory_space<hbm>> -> memref<64x1024xf32, #tpu.memory_space<hbm>>
      %dma_wait3A_74 = arith.constant 0 : i32
      %dma_wait3A_75 = tpu.memref_slice %arg4[%run_scoped3A_14, %add3A_12, %dma_wait3A_74] : memref<4x8192x1024xf32, #tpu.memory_space<hbm>> -> memref<1x64x1024xf32, #tpu.memory_space<hbm>>
      %dma_wait3A_76 = tpu.memref_squeeze %dma_wait3A_75 : memref<1x64x1024xf32, #tpu.memory_space<hbm>> -> memref<64x1024xf32, #tpu.memory_space<hbm>>
      tpu.wait_dma2 semaphore(%run_scoped3A_64 : memref<!tpu.dma_semaphore, #tpu.memory_space<semaphore_mem>>) src(%arg6 : memref<64x1024xf32, #tpu.memory_space<vmem>>) dst(%dma_wait3A_76 : memref<64x1024xf32, #tpu.memory_space<hbm>>)
      tpu.yield
    }) : () -> ()
    %run_scoped3A_15 = arith.constant 3 : i32
    "tpu.region"() ({
      %run_scoped3A_64 = tpu.sem_alloc : memref<!tpu.dma_semaphore, #tpu.memory_space<semaphore_mem>>
      %dma_start3A_65 = arith.constant 0 : i32
      %dma_start3A_66 = tpu.memref_slice %arg4[%run_scoped3A_15, %add3A_12, %dma_start3A_65] : memref<4x8192x1024xf32, #tpu.memory_space<hbm>> -> memref<1x64x1024xf32, #tpu.memory_space<hbm>>
      %dma_start3A_67 = tpu.memref_squeeze %dma_start3A_66 : memref<1x64x1024xf32, #tpu.memory_space<hbm>> -> memref<64x1024xf32, #tpu.memory_space<hbm>>
      %dma_start3A_68 = arith.constant 0 : i32
      %dma_start3A_69 = tpu.memref_slice %arg4[%run_scoped3A_15, %add3A_12, %dma_start3A_68] : memref<4x8192x1024xf32, #tpu.memory_space<hbm>> -> memref<1x64x1024xf32, #tpu.memory_space<hbm>>
      %dma_start3A_70 = tpu.memref_squeeze %dma_start3A_69 : memref<1x64x1024xf32, #tpu.memory_space<hbm>> -> memref<64x1024xf32, #tpu.memory_space<hbm>>
      tpu.enqueue_dma source(%arg6 : memref<64x1024xf32, #tpu.memory_space<vmem>>) target(%dma_start3A_70 : memref<64x1024xf32, #tpu.memory_space<hbm>>) target_semaphore(%run_scoped3A_64 : memref<!tpu.dma_semaphore, #tpu.memory_space<semaphore_mem>>)
      %dma_wait3A_71 = arith.constant 0 : i32
      %dma_wait3A_72 = tpu.memref_slice %arg4[%run_scoped3A_15, %add3A_12, %dma_wait3A_71] : memref<4x8192x1024xf32, #tpu.memory_space<hbm>> -> memref<1x64x1024xf32, #tpu.memory_space<hbm>>
      %dma_wait3A_73 = tpu.memref_squeeze %dma_wait3A_72 : memref<1x64x1024xf32, #tpu.memory_space<hbm>> -> memref<64x1024xf32, #tpu.memory_space<hbm>>
      %dma_wait3A_74 = arith.constant 0 : i32
      %dma_wait3A_75 = tpu.memref_slice %arg4[%run_scoped3A_15, %add3A_12, %dma_wait3A_74] : memref<4x8192x1024xf32, #tpu.memory_space<hbm>> -> memref<1x64x1024xf32, #tpu.memory_space<hbm>>
      %dma_wait3A_76 = tpu.memref_squeeze %dma_wait3A_75 : memref<1x64x1024xf32, #tpu.memory_space<hbm>> -> memref<64x1024xf32, #tpu.memory_space<hbm>>
      tpu.wait_dma2 semaphore(%run_scoped3A_64 : memref<!tpu.dma_semaphore, #tpu.memory_space<semaphore_mem>>) src(%arg6 : memref<64x1024xf32, #tpu.memory_space<vmem>>) dst(%dma_wait3A_76 : memref<64x1024xf32, #tpu.memory_space<hbm>>)
      tpu.yield
    }) : () -> ()
    %dma_start3A_16 = arith.constant 64 : i32
    %dma_start3A_17 = tpu.memref_slice %arg5[%dma_start3A_16] : memref<256xi32, #tpu.memory_space<vmem>> -> memref<64xi32, #tpu.memory_space<vmem>>
    %dma_start3A_18 = arith.constant 0 : i32
    %dma_start3A_19 = arith.constant 0 : i32
    %dma_start3A_20 = tpu.memref_slice %arg2[%dma_start3A_18, %dma_start3A_19] : memref<4096x1024xf32, #tpu.memory_space<hbm>> -> memref<4096x1024xf32, #tpu.memory_space<hbm>>
    tpu.enqueue_indirect_dma source(%dma_start3A_20 : memref<4096x1024xf32, #tpu.memory_space<hbm>>) target(%arg6 : memref<64x1024xf32, #tpu.memory_space<vmem>>) offsets(%dma_start3A_17 : memref<64xi32, #tpu.memory_space<vmem>>) semaphore(%arg7 : memref<!tpu.dma_semaphore, #tpu.memory_space<semaphore_mem>>)
    %dma_wait3A_21 = arith.constant 64 : i32
    %dma_wait3A_22 = tpu.memref_slice %arg5[%dma_wait3A_21] : memref<256xi32, #tpu.memory_space<vmem>> -> memref<64xi32, #tpu.memory_space<vmem>>
    %dma_wait3A_23 = arith.constant 0 : i32
    %dma_wait3A_24 = arith.constant 0 : i32
    %dma_wait3A_25 = tpu.memref_slice %arg2[%dma_wait3A_23, %dma_wait3A_24] : memref<4096x1024xf32, #tpu.memory_space<hbm>> -> memref<4096x1024xf32, #tpu.memory_space<hbm>>
    tpu.wait_indirect_dma semaphore(%arg7 : memref<!tpu.dma_semaphore, #tpu.memory_space<semaphore_mem>>) src(%dma_wait3A_25 : memref<4096x1024xf32, #tpu.memory_space<hbm>>) dst(%arg6 : memref<64x1024xf32, #tpu.memory_space<vmem>>)
    %add3A_26 = arith.constant 64 : i32
    %add3A_27 = arith.addi %mul3A_2, %add3A_26 : i32
    %run_scoped3A_28 = arith.constant 0 : i32
    "tpu.region"() ({
      %run_scoped3A_64 = tpu.sem_alloc : memref<!tpu.dma_semaphore, #tpu.memory_space<semaphore_mem>>
      %dma_start3A_65 = arith.constant 0 : i32
      %dma_start3A_66 = tpu.memref_slice %arg4[%run_scoped3A_28, %add3A_27, %dma_start3A_65] : memref<4x8192x1024xf32, #tpu.memory_space<hbm>> -> memref<1x64x1024xf32, #tpu.memory_space<hbm>>
      %dma_start3A_67 = tpu.memref_squeeze %dma_start3A_66 : memref<1x64x1024xf32, #tpu.memory_space<hbm>> -> memref<64x1024xf32, #tpu.memory_space<hbm>>
      %dma_start3A_68 = arith.constant 0 : i32
      %dma_start3A_69 = tpu.memref_slice %arg4[%run_scoped3A_28, %add3A_27, %dma_start3A_68] : memref<4x8192x1024xf32, #tpu.memory_space<hbm>> -> memref<1x64x1024xf32, #tpu.memory_space<hbm>>
      %dma_start3A_70 = tpu.memref_squeeze %dma_start3A_69 : memref<1x64x1024xf32, #tpu.memory_space<hbm>> -> memref<64x1024xf32, #tpu.memory_space<hbm>>
      tpu.enqueue_dma source(%arg6 : memref<64x1024xf32, #tpu.memory_space<vmem>>) target(%dma_start3A_70 : memref<64x1024xf32, #tpu.memory_space<hbm>>) target_semaphore(%run_scoped3A_64 : memref<!tpu.dma_semaphore, #tpu.memory_space<semaphore_mem>>)
      %dma_wait3A_71 = arith.constant 0 : i32
      %dma_wait3A_72 = tpu.memref_slice %arg4[%run_scoped3A_28, %add3A_27, %dma_wait3A_71] : memref<4x8192x1024xf32, #tpu.memory_space<hbm>> -> memref<1x64x1024xf32, #tpu.memory_space<hbm>>
      %dma_wait3A_73 = tpu.memref_squeeze %dma_wait3A_72 : memref<1x64x1024xf32, #tpu.memory_space<hbm>> -> memref<64x1024xf32, #tpu.memory_space<hbm>>
      %dma_wait3A_74 = arith.constant 0 : i32
      %dma_wait3A_75 = tpu.memref_slice %arg4[%run_scoped3A_28, %add3A_27, %dma_wait3A_74] : memref<4x8192x1024xf32, #tpu.memory_space<hbm>> -> memref<1x64x1024xf32, #tpu.memory_space<hbm>>
      %dma_wait3A_76 = tpu.memref_squeeze %dma_wait3A_75 : memref<1x64x1024xf32, #tpu.memory_space<hbm>> -> memref<64x1024xf32, #tpu.memory_space<hbm>>
      tpu.wait_dma2 semaphore(%run_scoped3A_64 : memref<!tpu.dma_semaphore, #tpu.memory_space<semaphore_mem>>) src(%arg6 : memref<64x1024xf32, #tpu.memory_space<vmem>>) dst(%dma_wait3A_76 : memref<64x1024xf32, #tpu.memory_space<hbm>>)
      tpu.yield
    }) : () -> ()
    %run_scoped3A_29 = arith.constant 1 : i32
    "tpu.region"() ({
      %run_scoped3A_64 = tpu.sem_alloc : memref<!tpu.dma_semaphore, #tpu.memory_space<semaphore_mem>>
      %dma_start3A_65 = arith.constant 0 : i32
      %dma_start3A_66 = tpu.memref_slice %arg4[%run_scoped3A_29, %add3A_27, %dma_start3A_65] : memref<4x8192x1024xf32, #tpu.memory_space<hbm>> -> memref<1x64x1024xf32, #tpu.memory_space<hbm>>
      %dma_start3A_67 = tpu.memref_squeeze %dma_start3A_66 : memref<1x64x1024xf32, #tpu.memory_space<hbm>> -> memref<64x1024xf32, #tpu.memory_space<hbm>>
      %dma_start3A_68 = arith.constant 0 : i32
      %dma_start3A_69 = tpu.memref_slice %arg4[%run_scoped3A_29, %add3A_27, %dma_start3A_68] : memref<4x8192x1024xf32, #tpu.memory_space<hbm>> -> memref<1x64x1024xf32, #tpu.memory_space<hbm>>
      %dma_start3A_70 = tpu.memref_squeeze %dma_start3A_69 : memref<1x64x1024xf32, #tpu.memory_space<hbm>> -> memref<64x1024xf32, #tpu.memory_space<hbm>>
      tpu.enqueue_dma source(%arg6 : memref<64x1024xf32, #tpu.memory_space<vmem>>) target(%dma_start3A_70 : memref<64x1024xf32, #tpu.memory_space<hbm>>) target_semaphore(%run_scoped3A_64 : memref<!tpu.dma_semaphore, #tpu.memory_space<semaphore_mem>>)
      %dma_wait3A_71 = arith.constant 0 : i32
      %dma_wait3A_72 = tpu.memref_slice %arg4[%run_scoped3A_29, %add3A_27, %dma_wait3A_71] : memref<4x8192x1024xf32, #tpu.memory_space<hbm>> -> memref<1x64x1024xf32, #tpu.memory_space<hbm>>
      %dma_wait3A_73 = tpu.memref_squeeze %dma_wait3A_72 : memref<1x64x1024xf32, #tpu.memory_space<hbm>> -> memref<64x1024xf32, #tpu.memory_space<hbm>>
      %dma_wait3A_74 = arith.constant 0 : i32
      %dma_wait3A_75 = tpu.memref_slice %arg4[%run_scoped3A_29, %add3A_27, %dma_wait3A_74] : memref<4x8192x1024xf32, #tpu.memory_space<hbm>> -> memref<1x64x1024xf32, #tpu.memory_space<hbm>>
      %dma_wait3A_76 = tpu.memref_squeeze %dma_wait3A_75 : memref<1x64x1024xf32, #tpu.memory_space<hbm>> -> memref<64x1024xf32, #tpu.memory_space<hbm>>
      tpu.wait_dma2 semaphore(%run_scoped3A_64 : memref<!tpu.dma_semaphore, #tpu.memory_space<semaphore_mem>>) src(%arg6 : memref<64x1024xf32, #tpu.memory_space<vmem>>) dst(%dma_wait3A_76 : memref<64x1024xf32, #tpu.memory_space<hbm>>)
      tpu.yield
    }) : () -> ()
    %run_scoped3A_30 = arith.constant 2 : i32
    "tpu.region"() ({
      %run_scoped3A_64 = tpu.sem_alloc : memref<!tpu.dma_semaphore, #tpu.memory_space<semaphore_mem>>
      %dma_start3A_65 = arith.constant 0 : i32
      %dma_start3A_66 = tpu.memref_slice %arg4[%run_scoped3A_30, %add3A_27, %dma_start3A_65] : memref<4x8192x1024xf32, #tpu.memory_space<hbm>> -> memref<1x64x1024xf32, #tpu.memory_space<hbm>>
      %dma_start3A_67 = tpu.memref_squeeze %dma_start3A_66 : memref<1x64x1024xf32, #tpu.memory_space<hbm>> -> memref<64x1024xf32, #tpu.memory_space<hbm>>
      %dma_start3A_68 = arith.constant 0 : i32
      %dma_start3A_69 = tpu.memref_slice %arg4[%run_scoped3A_30, %add3A_27, %dma_start3A_68] : memref<4x8192x1024xf32, #tpu.memory_space<hbm>> -> memref<1x64x1024xf32, #tpu.memory_space<hbm>>
      %dma_start3A_70 = tpu.memref_squeeze %dma_start3A_69 : memref<1x64x1024xf32, #tpu.memory_space<hbm>> -> memref<64x1024xf32, #tpu.memory_space<hbm>>
      tpu.enqueue_dma source(%arg6 : memref<64x1024xf32, #tpu.memory_space<vmem>>) target(%dma_start3A_70 : memref<64x1024xf32, #tpu.memory_space<hbm>>) target_semaphore(%run_scoped3A_64 : memref<!tpu.dma_semaphore, #tpu.memory_space<semaphore_mem>>)
      %dma_wait3A_71 = arith.constant 0 : i32
      %dma_wait3A_72 = tpu.memref_slice %arg4[%run_scoped3A_30, %add3A_27, %dma_wait3A_71] : memref<4x8192x1024xf32, #tpu.memory_space<hbm>> -> memref<1x64x1024xf32, #tpu.memory_space<hbm>>
      %dma_wait3A_73 = tpu.memref_squeeze %dma_wait3A_72 : memref<1x64x1024xf32, #tpu.memory_space<hbm>> -> memref<64x1024xf32, #tpu.memory_space<hbm>>
      %dma_wait3A_74 = arith.constant 0 : i32
      %dma_wait3A_75 = tpu.memref_slice %arg4[%run_scoped3A_30, %add3A_27, %dma_wait3A_74] : memref<4x8192x1024xf32, #tpu.memory_space<hbm>> -> memref<1x64x1024xf32, #tpu.memory_space<hbm>>
      %dma_wait3A_76 = tpu.memref_squeeze %dma_wait3A_75 : memref<1x64x1024xf32, #tpu.memory_space<hbm>> -> memref<64x1024xf32, #tpu.memory_space<hbm>>
      tpu.wait_dma2 semaphore(%run_scoped3A_64 : memref<!tpu.dma_semaphore, #tpu.memory_space<semaphore_mem>>) src(%arg6 : memref<64x1024xf32, #tpu.memory_space<vmem>>) dst(%dma_wait3A_76 : memref<64x1024xf32, #tpu.memory_space<hbm>>)
      tpu.yield
    }) : () -> ()
    %run_scoped3A_31 = arith.constant 3 : i32
    "tpu.region"() ({
      %run_scoped3A_64 = tpu.sem_alloc : memref<!tpu.dma_semaphore, #tpu.memory_space<semaphore_mem>>
      %dma_start3A_65 = arith.constant 0 : i32
      %dma_start3A_66 = tpu.memref_slice %arg4[%run_scoped3A_31, %add3A_27, %dma_start3A_65] : memref<4x8192x1024xf32, #tpu.memory_space<hbm>> -> memref<1x64x1024xf32, #tpu.memory_space<hbm>>
      %dma_start3A_67 = tpu.memref_squeeze %dma_start3A_66 : memref<1x64x1024xf32, #tpu.memory_space<hbm>> -> memref<64x1024xf32, #tpu.memory_space<hbm>>
      %dma_start3A_68 = arith.constant 0 : i32
      %dma_start3A_69 = tpu.memref_slice %arg4[%run_scoped3A_31, %add3A_27, %dma_start3A_68] : memref<4x8192x1024xf32, #tpu.memory_space<hbm>> -> memref<1x64x1024xf32, #tpu.memory_space<hbm>>
      %dma_start3A_70 = tpu.memref_squeeze %dma_start3A_69 : memref<1x64x1024xf32, #tpu.memory_space<hbm>> -> memref<64x1024xf32, #tpu.memory_space<hbm>>
      tpu.enqueue_dma source(%arg6 : memref<64x1024xf32, #tpu.memory_space<vmem>>) target(%dma_start3A_70 : memref<64x1024xf32, #tpu.memory_space<hbm>>) target_semaphore(%run_scoped3A_64 : memref<!tpu.dma_semaphore, #tpu.memory_space<semaphore_mem>>)
      %dma_wait3A_71 = arith.constant 0 : i32
      %dma_wait3A_72 = tpu.memref_slice %arg4[%run_scoped3A_31, %add3A_27, %dma_wait3A_71] : memref<4x8192x1024xf32, #tpu.memory_space<hbm>> -> memref<1x64x1024xf32, #tpu.memory_space<hbm>>
      %dma_wait3A_73 = tpu.memref_squeeze %dma_wait3A_72 : memref<1x64x1024xf32, #tpu.memory_space<hbm>> -> memref<64x1024xf32, #tpu.memory_space<hbm>>
      %dma_wait3A_74 = arith.constant 0 : i32
      %dma_wait3A_75 = tpu.memref_slice %arg4[%run_scoped3A_31, %add3A_27, %dma_wait3A_74] : memref<4x8192x1024xf32, #tpu.memory_space<hbm>> -> memref<1x64x1024xf32, #tpu.memory_space<hbm>>
      %dma_wait3A_76 = tpu.memref_squeeze %dma_wait3A_75 : memref<1x64x1024xf32, #tpu.memory_space<hbm>> -> memref<64x1024xf32, #tpu.memory_space<hbm>>
      tpu.wait_dma2 semaphore(%run_scoped3A_64 : memref<!tpu.dma_semaphore, #tpu.memory_space<semaphore_mem>>) src(%arg6 : memref<64x1024xf32, #tpu.memory_space<vmem>>) dst(%dma_wait3A_76 : memref<64x1024xf32, #tpu.memory_space<hbm>>)
      tpu.yield
    }) : () -> ()
    %dma_start3A_32 = arith.constant 128 : i32
    %dma_start3A_33 = tpu.memref_slice %arg5[%dma_start3A_32] : memref<256xi32, #tpu.memory_space<vmem>> -> memref<64xi32, #tpu.memory_space<vmem>>
    %dma_start3A_34 = arith.constant 0 : i32
    %dma_start3A_35 = arith.constant 0 : i32
    %dma_start3A_36 = tpu.memref_slice %arg2[%dma_start3A_34, %dma_start3A_35] : memref<4096x1024xf32, #tpu.memory_space<hbm>> -> memref<4096x1024xf32, #tpu.memory_space<hbm>>
    tpu.enqueue_indirect_dma source(%dma_start3A_36 : memref<4096x1024xf32, #tpu.memory_space<hbm>>) target(%arg6 : memref<64x1024xf32, #tpu.memory_space<vmem>>) offsets(%dma_start3A_33 : memref<64xi32, #tpu.memory_space<vmem>>) semaphore(%arg7 : memref<!tpu.dma_semaphore, #tpu.memory_space<semaphore_mem>>)
    %dma_wait3A_37 = arith.constant 128 : i32
    %dma_wait3A_38 = tpu.memref_slice %arg5[%dma_wait3A_37] : memref<256xi32, #tpu.memory_space<vmem>> -> memref<64xi32, #tpu.memory_space<vmem>>
    %dma_wait3A_39 = arith.constant 0 : i32
    %dma_wait3A_40 = arith.constant 0 : i32
    %dma_wait3A_41 = tpu.memref_slice %arg2[%dma_wait3A_39, %dma_wait3A_40] : memref<4096x1024xf32, #tpu.memory_space<hbm>> -> memref<4096x1024xf32, #tpu.memory_space<hbm>>
    tpu.wait_indirect_dma semaphore(%arg7 : memref<!tpu.dma_semaphore, #tpu.memory_space<semaphore_mem>>) src(%dma_wait3A_41 : memref<4096x1024xf32, #tpu.memory_space<hbm>>) dst(%arg6 : memref<64x1024xf32, #tpu.memory_space<vmem>>)
    %add3A_42 = arith.constant 128 : i32
    %add3A_43 = arith.addi %mul3A_2, %add3A_42 : i32
    %run_scoped3A_44 = arith.constant 0 : i32
    "tpu.region"() ({
      %run_scoped3A_64 = tpu.sem_alloc : memref<!tpu.dma_semaphore, #tpu.memory_space<semaphore_mem>>
      %dma_start3A_65 = arith.constant 0 : i32
      %dma_start3A_66 = tpu.memref_slice %arg4[%run_scoped3A_44, %add3A_43, %dma_start3A_65] : memref<4x8192x1024xf32, #tpu.memory_space<hbm>> -> memref<1x64x1024xf32, #tpu.memory_space<hbm>>
      %dma_start3A_67 = tpu.memref_squeeze %dma_start3A_66 : memref<1x64x1024xf32, #tpu.memory_space<hbm>> -> memref<64x1024xf32, #tpu.memory_space<hbm>>
      %dma_start3A_68 = arith.constant 0 : i32
      %dma_start3A_69 = tpu.memref_slice %arg4[%run_scoped3A_44, %add3A_43, %dma_start3A_68] : memref<4x8192x1024xf32, #tpu.memory_space<hbm>> -> memref<1x64x1024xf32, #tpu.memory_space<hbm>>
      %dma_start3A_70 = tpu.memref_squeeze %dma_start3A_69 : memref<1x64x1024xf32, #tpu.memory_space<hbm>> -> memref<64x1024xf32, #tpu.memory_space<hbm>>
      tpu.enqueue_dma source(%arg6 : memref<64x1024xf32, #tpu.memory_space<vmem>>) target(%dma_start3A_70 : memref<64x1024xf32, #tpu.memory_space<hbm>>) target_semaphore(%run_scoped3A_64 : memref<!tpu.dma_semaphore, #tpu.memory_space<semaphore_mem>>)
      %dma_wait3A_71 = arith.constant 0 : i32
      %dma_wait3A_72 = tpu.memref_slice %arg4[%run_scoped3A_44, %add3A_43, %dma_wait3A_71] : memref<4x8192x1024xf32, #tpu.memory_space<hbm>> -> memref<1x64x1024xf32, #tpu.memory_space<hbm>>
      %dma_wait3A_73 = tpu.memref_squeeze %dma_wait3A_72 : memref<1x64x1024xf32, #tpu.memory_space<hbm>> -> memref<64x1024xf32, #tpu.memory_space<hbm>>
      %dma_wait3A_74 = arith.constant 0 : i32
      %dma_wait3A_75 = tpu.memref_slice %arg4[%run_scoped3A_44, %add3A_43, %dma_wait3A_74] : memref<4x8192x1024xf32, #tpu.memory_space<hbm>> -> memref<1x64x1024xf32, #tpu.memory_space<hbm>>
      %dma_wait3A_76 = tpu.memref_squeeze %dma_wait3A_75 : memref<1x64x1024xf32, #tpu.memory_space<hbm>> -> memref<64x1024xf32, #tpu.memory_space<hbm>>
      tpu.wait_dma2 semaphore(%run_scoped3A_64 : memref<!tpu.dma_semaphore, #tpu.memory_space<semaphore_mem>>) src(%arg6 : memref<64x1024xf32, #tpu.memory_space<vmem>>) dst(%dma_wait3A_76 : memref<64x1024xf32, #tpu.memory_space<hbm>>)
      tpu.yield
    }) : () -> ()
    %run_scoped3A_45 = arith.constant 1 : i32
    "tpu.region"() ({
      %run_scoped3A_64 = tpu.sem_alloc : memref<!tpu.dma_semaphore, #tpu.memory_space<semaphore_mem>>
      %dma_start3A_65 = arith.constant 0 : i32
      %dma_start3A_66 = tpu.memref_slice %arg4[%run_scoped3A_45, %add3A_43, %dma_start3A_65] : memref<4x8192x1024xf32, #tpu.memory_space<hbm>> -> memref<1x64x1024xf32, #tpu.memory_space<hbm>>
      %dma_start3A_67 = tpu.memref_squeeze %dma_start3A_66 : memref<1x64x1024xf32, #tpu.memory_space<hbm>> -> memref<64x1024xf32, #tpu.memory_space<hbm>>
      %dma_start3A_68 = arith.constant 0 : i32
      %dma_start3A_69 = tpu.memref_slice %arg4[%run_scoped3A_45, %add3A_43, %dma_start3A_68] : memref<4x8192x1024xf32, #tpu.memory_space<hbm>> -> memref<1x64x1024xf32, #tpu.memory_space<hbm>>
      %dma_start3A_70 = tpu.memref_squeeze %dma_start3A_69 : memref<1x64x1024xf32, #tpu.memory_space<hbm>> -> memref<64x1024xf32, #tpu.memory_space<hbm>>
      tpu.enqueue_dma source(%arg6 : memref<64x1024xf32, #tpu.memory_space<vmem>>) target(%dma_start3A_70 : memref<64x1024xf32, #tpu.memory_space<hbm>>) target_semaphore(%run_scoped3A_64 : memref<!tpu.dma_semaphore, #tpu.memory_space<semaphore_mem>>)
      %dma_wait3A_71 = arith.constant 0 : i32
      %dma_wait3A_72 = tpu.memref_slice %arg4[%run_scoped3A_45, %add3A_43, %dma_wait3A_71] : memref<4x8192x1024xf32, #tpu.memory_space<hbm>> -> memref<1x64x1024xf32, #tpu.memory_space<hbm>>
      %dma_wait3A_73 = tpu.memref_squeeze %dma_wait3A_72 : memref<1x64x1024xf32, #tpu.memory_space<hbm>> -> memref<64x1024xf32, #tpu.memory_space<hbm>>
      %dma_wait3A_74 = arith.constant 0 : i32
      %dma_wait3A_75 = tpu.memref_slice %arg4[%run_scoped3A_45, %add3A_43, %dma_wait3A_74] : memref<4x8192x1024xf32, #tpu.memory_space<hbm>> -> memref<1x64x1024xf32, #tpu.memory_space<hbm>>
      %dma_wait3A_76 = tpu.memref_squeeze %dma_wait3A_75 : memref<1x64x1024xf32, #tpu.memory_space<hbm>> -> memref<64x1024xf32, #tpu.memory_space<hbm>>
      tpu.wait_dma2 semaphore(%run_scoped3A_64 : memref<!tpu.dma_semaphore, #tpu.memory_space<semaphore_mem>>) src(%arg6 : memref<64x1024xf32, #tpu.memory_space<vmem>>) dst(%dma_wait3A_76 : memref<64x1024xf32, #tpu.memory_space<hbm>>)
      tpu.yield
    }) : () -> ()
    %run_scoped3A_46 = arith.constant 2 : i32
    "tpu.region"() ({
      %run_scoped3A_64 = tpu.sem_alloc : memref<!tpu.dma_semaphore, #tpu.memory_space<semaphore_mem>>
      %dma_start3A_65 = arith.constant 0 : i32
      %dma_start3A_66 = tpu.memref_slice %arg4[%run_scoped3A_46, %add3A_43, %dma_start3A_65] : memref<4x8192x1024xf32, #tpu.memory_space<hbm>> -> memref<1x64x1024xf32, #tpu.memory_space<hbm>>
      %dma_start3A_67 = tpu.memref_squeeze %dma_start3A_66 : memref<1x64x1024xf32, #tpu.memory_space<hbm>> -> memref<64x1024xf32, #tpu.memory_space<hbm>>
      %dma_start3A_68 = arith.constant 0 : i32
      %dma_start3A_69 = tpu.memref_slice %arg4[%run_scoped3A_46, %add3A_43, %dma_start3A_68] : memref<4x8192x1024xf32, #tpu.memory_space<hbm>> -> memref<1x64x1024xf32, #tpu.memory_space<hbm>>
      %dma_start3A_70 = tpu.memref_squeeze %dma_start3A_69 : memref<1x64x1024xf32, #tpu.memory_space<hbm>> -> memref<64x1024xf32, #tpu.memory_space<hbm>>
      tpu.enqueue_dma source(%arg6 : memref<64x1024xf32, #tpu.memory_space<vmem>>) target(%dma_start3A_70 : memref<64x1024xf32, #tpu.memory_space<hbm>>) target_semaphore(%run_scoped3A_64 : memref<!tpu.dma_semaphore, #tpu.memory_space<semaphore_mem>>)
      %dma_wait3A_71 = arith.constant 0 : i32
      %dma_wait3A_72 = tpu.memref_slice %arg4[%run_scoped3A_46, %add3A_43, %dma_wait3A_71] : memref<4x8192x1024xf32, #tpu.memory_space<hbm>> -> memref<1x64x1024xf32, #tpu.memory_space<hbm>>
      %dma_wait3A_73 = tpu.memref_squeeze %dma_wait3A_72 : memref<1x64x1024xf32, #tpu.memory_space<hbm>> -> memref<64x1024xf32, #tpu.memory_space<hbm>>
      %dma_wait3A_74 = arith.constant 0 : i32
      %dma_wait3A_75 = tpu.memref_slice %arg4[%run_scoped3A_46, %add3A_43, %dma_wait3A_74] : memref<4x8192x1024xf32, #tpu.memory_space<hbm>> -> memref<1x64x1024xf32, #tpu.memory_space<hbm>>
      %dma_wait3A_76 = tpu.memref_squeeze %dma_wait3A_75 : memref<1x64x1024xf32, #tpu.memory_space<hbm>> -> memref<64x1024xf32, #tpu.memory_space<hbm>>
      tpu.wait_dma2 semaphore(%run_scoped3A_64 : memref<!tpu.dma_semaphore, #tpu.memory_space<semaphore_mem>>) src(%arg6 : memref<64x1024xf32, #tpu.memory_space<vmem>>) dst(%dma_wait3A_76 : memref<64x1024xf32, #tpu.memory_space<hbm>>)
      tpu.yield
    }) : () -> ()
    %run_scoped3A_47 = arith.constant 3 : i32
    "tpu.region"() ({
      %run_scoped3A_64 = tpu.sem_alloc : memref<!tpu.dma_semaphore, #tpu.memory_space<semaphore_mem>>
      %dma_start3A_65 = arith.constant 0 : i32
      %dma_start3A_66 = tpu.memref_slice %arg4[%run_scoped3A_47, %add3A_43, %dma_start3A_65] : memref<4x8192x1024xf32, #tpu.memory_space<hbm>> -> memref<1x64x1024xf32, #tpu.memory_space<hbm>>
      %dma_start3A_67 = tpu.memref_squeeze %dma_start3A_66 : memref<1x64x1024xf32, #tpu.memory_space<hbm>> -> memref<64x1024xf32, #tpu.memory_space<hbm>>
      %dma_start3A_68 = arith.constant 0 : i32
      %dma_start3A_69 = tpu.memref_slice %arg4[%run_scoped3A_47, %add3A_43, %dma_start3A_68] : memref<4x8192x1024xf32, #tpu.memory_space<hbm>> -> memref<1x64x1024xf32, #tpu.memory_space<hbm>>
      %dma_start3A_70 = tpu.memref_squeeze %dma_start3A_69 : memref<1x64x1024xf32, #tpu.memory_space<hbm>> -> memref<64x1024xf32, #tpu.memory_space<hbm>>
      tpu.enqueue_dma source(%arg6 : memref<64x1024xf32, #tpu.memory_space<vmem>>) target(%dma_start3A_70 : memref<64x1024xf32, #tpu.memory_space<hbm>>) target_semaphore(%run_scoped3A_64 : memref<!tpu.dma_semaphore, #tpu.memory_space<semaphore_mem>>)
      %dma_wait3A_71 = arith.constant 0 : i32
      %dma_wait3A_72 = tpu.memref_slice %arg4[%run_scoped3A_47, %add3A_43, %dma_wait3A_71] : memref<4x8192x1024xf32, #tpu.memory_space<hbm>> -> memref<1x64x1024xf32, #tpu.memory_space<hbm>>
      %dma_wait3A_73 = tpu.memref_squeeze %dma_wait3A_72 : memref<1x64x1024xf32, #tpu.memory_space<hbm>> -> memref<64x1024xf32, #tpu.memory_space<hbm>>
      %dma_wait3A_74 = arith.constant 0 : i32
      %dma_wait3A_75 = tpu.memref_slice %arg4[%run_scoped3A_47, %add3A_43, %dma_wait3A_74] : memref<4x8192x1024xf32, #tpu.memory_space<hbm>> -> memref<1x64x1024xf32, #tpu.memory_space<hbm>>
      %dma_wait3A_76 = tpu.memref_squeeze %dma_wait3A_75 : memref<1x64x1024xf32, #tpu.memory_space<hbm>> -> memref<64x1024xf32, #tpu.memory_space<hbm>>
      tpu.wait_dma2 semaphore(%run_scoped3A_64 : memref<!tpu.dma_semaphore, #tpu.memory_space<semaphore_mem>>) src(%arg6 : memref<64x1024xf32, #tpu.memory_space<vmem>>) dst(%dma_wait3A_76 : memref<64x1024xf32, #tpu.memory_space<hbm>>)
      tpu.yield
    }) : () -> ()
    %dma_start3A_48 = arith.constant 192 : i32
    %dma_start3A_49 = tpu.memref_slice %arg5[%dma_start3A_48] : memref<256xi32, #tpu.memory_space<vmem>> -> memref<64xi32, #tpu.memory_space<vmem>>
    %dma_start3A_50 = arith.constant 0 : i32
    %dma_start3A_51 = arith.constant 0 : i32
    %dma_start3A_52 = tpu.memref_slice %arg2[%dma_start3A_50, %dma_start3A_51] : memref<4096x1024xf32, #tpu.memory_space<hbm>> -> memref<4096x1024xf32, #tpu.memory_space<hbm>>
    tpu.enqueue_indirect_dma source(%dma_start3A_52 : memref<4096x1024xf32, #tpu.memory_space<hbm>>) target(%arg6 : memref<64x1024xf32, #tpu.memory_space<vmem>>) offsets(%dma_start3A_49 : memref<64xi32, #tpu.memory_space<vmem>>) semaphore(%arg7 : memref<!tpu.dma_semaphore, #tpu.memory_space<semaphore_mem>>)
    %dma_wait3A_53 = arith.constant 192 : i32
    %dma_wait3A_54 = tpu.memref_slice %arg5[%dma_wait3A_53] : memref<256xi32, #tpu.memory_space<vmem>> -> memref<64xi32, #tpu.memory_space<vmem>>
    %dma_wait3A_55 = arith.constant 0 : i32
    %dma_wait3A_56 = arith.constant 0 : i32
    %dma_wait3A_57 = tpu.memref_slice %arg2[%dma_wait3A_55, %dma_wait3A_56] : memref<4096x1024xf32, #tpu.memory_space<hbm>> -> memref<4096x1024xf32, #tpu.memory_space<hbm>>
    tpu.wait_indirect_dma semaphore(%arg7 : memref<!tpu.dma_semaphore, #tpu.memory_space<semaphore_mem>>) src(%dma_wait3A_57 : memref<4096x1024xf32, #tpu.memory_space<hbm>>) dst(%arg6 : memref<64x1024xf32, #tpu.memory_space<vmem>>)
    %add3A_58 = arith.constant 192 : i32
    %add3A_59 = arith.addi %mul3A_2, %add3A_58 : i32
    %run_scoped3A_60 = arith.constant 0 : i32
    "tpu.region"() ({
      %run_scoped3A_64 = tpu.sem_alloc : memref<!tpu.dma_semaphore, #tpu.memory_space<semaphore_mem>>
      %dma_start3A_65 = arith.constant 0 : i32
      %dma_start3A_66 = tpu.memref_slice %arg4[%run_scoped3A_60, %add3A_59, %dma_start3A_65] : memref<4x8192x1024xf32, #tpu.memory_space<hbm>> -> memref<1x64x1024xf32, #tpu.memory_space<hbm>>
      %dma_start3A_67 = tpu.memref_squeeze %dma_start3A_66 : memref<1x64x1024xf32, #tpu.memory_space<hbm>> -> memref<64x1024xf32, #tpu.memory_space<hbm>>
      %dma_start3A_68 = arith.constant 0 : i32
      %dma_start3A_69 = tpu.memref_slice %arg4[%run_scoped3A_60, %add3A_59, %dma_start3A_68] : memref<4x8192x1024xf32, #tpu.memory_space<hbm>> -> memref<1x64x1024xf32, #tpu.memory_space<hbm>>
      %dma_start3A_70 = tpu.memref_squeeze %dma_start3A_69 : memref<1x64x1024xf32, #tpu.memory_space<hbm>> -> memref<64x1024xf32, #tpu.memory_space<hbm>>
      tpu.enqueue_dma source(%arg6 : memref<64x1024xf32, #tpu.memory_space<vmem>>) target(%dma_start3A_70 : memref<64x1024xf32, #tpu.memory_space<hbm>>) target_semaphore(%run_scoped3A_64 : memref<!tpu.dma_semaphore, #tpu.memory_space<semaphore_mem>>)
      %dma_wait3A_71 = arith.constant 0 : i32
      %dma_wait3A_72 = tpu.memref_slice %arg4[%run_scoped3A_60, %add3A_59, %dma_wait3A_71] : memref<4x8192x1024xf32, #tpu.memory_space<hbm>> -> memref<1x64x1024xf32, #tpu.memory_space<hbm>>
      %dma_wait3A_73 = tpu.memref_squeeze %dma_wait3A_72 : memref<1x64x1024xf32, #tpu.memory_space<hbm>> -> memref<64x1024xf32, #tpu.memory_space<hbm>>
      %dma_wait3A_74 = arith.constant 0 : i32
      %dma_wait3A_75 = tpu.memref_slice %arg4[%run_scoped3A_60, %add3A_59, %dma_wait3A_74] : memref<4x8192x1024xf32, #tpu.memory_space<hbm>> -> memref<1x64x1024xf32, #tpu.memory_space<hbm>>
      %dma_wait3A_76 = tpu.memref_squeeze %dma_wait3A_75 : memref<1x64x1024xf32, #tpu.memory_space<hbm>> -> memref<64x1024xf32, #tpu.memory_space<hbm>>
      tpu.wait_dma2 semaphore(%run_scoped3A_64 : memref<!tpu.dma_semaphore, #tpu.memory_space<semaphore_mem>>) src(%arg6 : memref<64x1024xf32, #tpu.memory_space<vmem>>) dst(%dma_wait3A_76 : memref<64x1024xf32, #tpu.memory_space<hbm>>)
      tpu.yield
    }) : () -> ()
    %run_scoped3A_61 = arith.constant 1 : i32
    "tpu.region"() ({
      %run_scoped3A_64 = tpu.sem_alloc : memref<!tpu.dma_semaphore, #tpu.memory_space<semaphore_mem>>
      %dma_start3A_65 = arith.constant 0 : i32
      %dma_start3A_66 = tpu.memref_slice %arg4[%run_scoped3A_61, %add3A_59, %dma_start3A_65] : memref<4x8192x1024xf32, #tpu.memory_space<hbm>> -> memref<1x64x1024xf32, #tpu.memory_space<hbm>>
      %dma_start3A_67 = tpu.memref_squeeze %dma_start3A_66 : memref<1x64x1024xf32, #tpu.memory_space<hbm>> -> memref<64x1024xf32, #tpu.memory_space<hbm>>
      %dma_start3A_68 = arith.constant 0 : i32
      %dma_start3A_69 = tpu.memref_slice %arg4[%run_scoped3A_61, %add3A_59, %dma_start3A_68] : memref<4x8192x1024xf32, #tpu.memory_space<hbm>> -> memref<1x64x1024xf32, #tpu.memory_space<hbm>>
      %dma_start3A_70 = tpu.memref_squeeze %dma_start3A_69 : memref<1x64x1024xf32, #tpu.memory_space<hbm>> -> memref<64x1024xf32, #tpu.memory_space<hbm>>
      tpu.enqueue_dma source(%arg6 : memref<64x1024xf32, #tpu.memory_space<vmem>>) target(%dma_start3A_70 : memref<64x1024xf32, #tpu.memory_space<hbm>>) target_semaphore(%run_scoped3A_64 : memref<!tpu.dma_semaphore, #tpu.memory_space<semaphore_mem>>)
      %dma_wait3A_71 = arith.constant 0 : i32
      %dma_wait3A_72 = tpu.memref_slice %arg4[%run_scoped3A_61, %add3A_59, %dma_wait3A_71] : memref<4x8192x1024xf32, #tpu.memory_space<hbm>> -> memref<1x64x1024xf32, #tpu.memory_space<hbm>>
      %dma_wait3A_73 = tpu.memref_squeeze %dma_wait3A_72 : memref<1x64x1024xf32, #tpu.memory_space<hbm>> -> memref<64x1024xf32, #tpu.memory_space<hbm>>
      %dma_wait3A_74 = arith.constant 0 : i32
      %dma_wait3A_75 = tpu.memref_slice %arg4[%run_scoped3A_61, %add3A_59, %dma_wait3A_74] : memref<4x8192x1024xf32, #tpu.memory_space<hbm>> -> memref<1x64x1024xf32, #tpu.memory_space<hbm>>
      %dma_wait3A_76 = tpu.memref_squeeze %dma_wait3A_75 : memref<1x64x1024xf32, #tpu.memory_space<hbm>> -> memref<64x1024xf32, #tpu.memory_space<hbm>>
      tpu.wait_dma2 semaphore(%run_scoped3A_64 : memref<!tpu.dma_semaphore, #tpu.memory_space<semaphore_mem>>) src(%arg6 : memref<64x1024xf32, #tpu.memory_space<vmem>>) dst(%dma_wait3A_76 : memref<64x1024xf32, #tpu.memory_space<hbm>>)
      tpu.yield
    }) : () -> ()
    %run_scoped3A_62 = arith.constant 2 : i32
    "tpu.region"() ({
      %run_scoped3A_64 = tpu.sem_alloc : memref<!tpu.dma_semaphore, #tpu.memory_space<semaphore_mem>>
      %dma_start3A_65 = arith.constant 0 : i32
      %dma_start3A_66 = tpu.memref_slice %arg4[%run_scoped3A_62, %add3A_59, %dma_start3A_65] : memref<4x8192x1024xf32, #tpu.memory_space<hbm>> -> memref<1x64x1024xf32, #tpu.memory_space<hbm>>
      %dma_start3A_67 = tpu.memref_squeeze %dma_start3A_66 : memref<1x64x1024xf32, #tpu.memory_space<hbm>> -> memref<64x1024xf32, #tpu.memory_space<hbm>>
      %dma_start3A_68 = arith.constant 0 : i32
      %dma_start3A_69 = tpu.memref_slice %arg4[%run_scoped3A_62, %add3A_59, %dma_start3A_68] : memref<4x8192x1024xf32, #tpu.memory_space<hbm>> -> memref<1x64x1024xf32, #tpu.memory_space<hbm>>
      %dma_start3A_70 = tpu.memref_squeeze %dma_start3A_69 : memref<1x64x1024xf32, #tpu.memory_space<hbm>> -> memref<64x1024xf32, #tpu.memory_space<hbm>>
      tpu.enqueue_dma source(%arg6 : memref<64x1024xf32, #tpu.memory_space<vmem>>) target(%dma_start3A_70 : memref<64x1024xf32, #tpu.memory_space<hbm>>) target_semaphore(%run_scoped3A_64 : memref<!tpu.dma_semaphore, #tpu.memory_space<semaphore_mem>>)
      %dma_wait3A_71 = arith.constant 0 : i32
      %dma_wait3A_72 = tpu.memref_slice %arg4[%run_scoped3A_62, %add3A_59, %dma_wait3A_71] : memref<4x8192x1024xf32, #tpu.memory_space<hbm>> -> memref<1x64x1024xf32, #tpu.memory_space<hbm>>
      %dma_wait3A_73 = tpu.memref_squeeze %dma_wait3A_72 : memref<1x64x1024xf32, #tpu.memory_space<hbm>> -> memref<64x1024xf32, #tpu.memory_space<hbm>>
      %dma_wait3A_74 = arith.constant 0 : i32
      %dma_wait3A_75 = tpu.memref_slice %arg4[%run_scoped3A_62, %add3A_59, %dma_wait3A_74] : memref<4x8192x1024xf32, #tpu.memory_space<hbm>> -> memref<1x64x1024xf32, #tpu.memory_space<hbm>>
      %dma_wait3A_76 = tpu.memref_squeeze %dma_wait3A_75 : memref<1x64x1024xf32, #tpu.memory_space<hbm>> -> memref<64x1024xf32, #tpu.memory_space<hbm>>
      tpu.wait_dma2 semaphore(%run_scoped3A_64 : memref<!tpu.dma_semaphore, #tpu.memory_space<semaphore_mem>>) src(%arg6 : memref<64x1024xf32, #tpu.memory_space<vmem>>) dst(%dma_wait3A_76 : memref<64x1024xf32, #tpu.memory_space<hbm>>)
      tpu.yield
    }) : () -> ()
    %run_scoped3A_63 = arith.constant 3 : i32
    "tpu.region"() ({
      %run_scoped3A_64 = tpu.sem_alloc : memref<!tpu.dma_semaphore, #tpu.memory_space<semaphore_mem>>
      %dma_start3A_65 = arith.constant 0 : i32
      %dma_start3A_66 = tpu.memref_slice %arg4[%run_scoped3A_63, %add3A_59, %dma_start3A_65] : memref<4x8192x1024xf32, #tpu.memory_space<hbm>> -> memref<1x64x1024xf32, #tpu.memory_space<hbm>>
      %dma_start3A_67 = tpu.memref_squeeze %dma_start3A_66 : memref<1x64x1024xf32, #tpu.memory_space<hbm>> -> memref<64x1024xf32, #tpu.memory_space<hbm>>
      %dma_start3A_68 = arith.constant 0 : i32
      %dma_start3A_69 = tpu.memref_slice %arg4[%run_scoped3A_63, %add3A_59, %dma_start3A_68] : memref<4x8192x1024xf32, #tpu.memory_space<hbm>> -> memref<1x64x1024xf32, #tpu.memory_space<hbm>>
      %dma_start3A_70 = tpu.memref_squeeze %dma_start3A_69 : memref<1x64x1024xf32, #tpu.memory_space<hbm>> -> memref<64x1024xf32, #tpu.memory_space<hbm>>
      tpu.enqueue_dma source(%arg6 : memref<64x1024xf32, #tpu.memory_space<vmem>>) target(%dma_start3A_70 : memref<64x1024xf32, #tpu.memory_space<hbm>>) target_semaphore(%run_scoped3A_64 : memref<!tpu.dma_semaphore, #tpu.memory_space<semaphore_mem>>)
      %dma_wait3A_71 = arith.constant 0 : i32
      %dma_wait3A_72 = tpu.memref_slice %arg4[%run_scoped3A_63, %add3A_59, %dma_wait3A_71] : memref<4x8192x1024xf32, #tpu.memory_space<hbm>> -> memref<1x64x1024xf32, #tpu.memory_space<hbm>>
      %dma_wait3A_73 = tpu.memref_squeeze %dma_wait3A_72 : memref<1x64x1024xf32, #tpu.memory_space<hbm>> -> memref<64x1024xf32, #tpu.memory_space<hbm>>
      %dma_wait3A_74 = arith.constant 0 : i32
      %dma_wait3A_75 = tpu.memref_slice %arg4[%run_scoped3A_63, %add3A_59, %dma_wait3A_74] : memref<4x8192x1024xf32, #tpu.memory_space<hbm>> -> memref<1x64x1024xf32, #tpu.memory_space<hbm>>
      %dma_wait3A_76 = tpu.memref_squeeze %dma_wait3A_75 : memref<1x64x1024xf32, #tpu.memory_space<hbm>> -> memref<64x1024xf32, #tpu.memory_space<hbm>>
      tpu.wait_dma2 semaphore(%run_scoped3A_64 : memref<!tpu.dma_semaphore, #tpu.memory_space<semaphore_mem>>) src(%arg6 : memref<64x1024xf32, #tpu.memory_space<vmem>>) dst(%dma_wait3A_76 : memref<64x1024xf32, #tpu.memory_space<hbm>>)
      tpu.yield
    }) : () -> ()
    return
  }
}

</mosaic_0001>

<sc_bundles>
// kernel: kernel.3.cloned.1.call-start
scs
__scs_entry_jumppad:
0x0: {  	(pc) =	sbr.rel $0x88, $3  }
0x1: {  	(tag) =	ssettag $0x0;
	lr =	simm.s32 $0x1  }
0x2: {  	[smem:$0x3F9F] =	sst lr;
	_ =	strace $0xD0000000  }
0x3: {  	_ = 	snop  }
0x4: {  	_ = 	snop  }
0x5: {  	_ = 	snop  }
0x6: {  	_ = 	snop  }
0x7: {  	_ = 	snop  }
__scs_overlays_trampoline_lowered:
0x8: {  	[smem:$0x3FAE] =	sst s0  }
0x9: {  	[smem:$0x3FAF] =	sst s1  }
0xa: {  	[smem:$0x3FB0] =	sst s2  }
0xb: {  	[smem:$0x3FB1] =	sst s3  }
0xc: {  	[smem:$0x3FB2] =	sst s4  }
0xd: {  	[smem:$0x3FB3] =	sst s5  }
0xe: {  	[smem:$0x3FB4] =	sst s6  }
0xf: {  	[smem:$0x3FB5] =	sst s7  }
0x10: {  	[smem:$0x3FB6] =	sst s8  }
0x11: {  	[smem:$0x3FB7] =	sst s9;
	s0 =	simm.s32 @!p0 $0x0  }
0x12: {  	s1 =	sld [smem:$0x3F9D];
	s0 =	simm.s32 @p0 $0x1  }
0x13: {  	[smem:$0x3FB8] =	sst s0;
	s0 =	simm.s32 @!p1 $0x0  }
0x14: {  	s2 =	sld [smem:$0x3F9C];
	s0 =	simm.s32 @p1 $0x1  }
0x15: {  	[smem:$0x3FB9] =	sst s0;
	s0 =	simm.s32 @!p2 $0x0  }
0x16: {  	s3 =	sld [smem:$0x3FDB];
	s0 =	simm.s32 @p2 $0x1  }
0x17: {  	s4 =	simm.s32 $0x1BF5;
	[smem:$0x3FBB] =	sst s0  }
0x18: {  	s0 =	sld [smem:$0x3F9E];
	_ =	swait.ge [sflag:s4], $0x0  }
0x19: {  	s7 =	sld [smem:$0x3F9F]  }
0x1a: {  	s8 =	sadd.s32 $0xFFFFE003, lr  }
0x1b: {  	s9 =	sadd.s32 $0xFFFFFEF7, lr;
	s5 =	simm.s32 $0xFFFFFFFF;
	p2 =	slt.u32 s8, $0xFFFFF086  }
0x1c: {  	p1 =	slt.u32 s9, $0xF7A;
	s5 =	simm.s32 @!p2 $0x0  }
0x1d: {  	s5 =	simm.s32 @p1 $0x1;
	p0 =	seq.s32 s7, s2  }
0x1e: {  	s7 =	smul.u32 @!p0 $0xF7A, s2;
	p2 =	seq.s32 @!p0 s5, $0x0  }
0x1f: {  	s9 =	smul.u32 $0xF7A, s1;
	s8 =	simm.s32 @!p0 $0x1BF5;
	p2 =	por !p2, p0  }
0x20: {  	[sflag:s8] =	ssyncset.s32 @!p0 $0xFFFFF086;
	s6 =	sadd.s32 @!p0 s3, s7;
	s7 =	simm.s32 @!p0 $0x108  }
0x21: {  	s3 =	sadd.s32 s3, s9;
	s6 =	sadd.s32 @!p0 $0x88, s6;
	s7 =	simm.s32 @p2 $0x1082  }
0x22: {  	[simem:s7], [sflag:s8] =	dma.local @!p0 [hbm:s6], $0xF7A  }
0x23: {  	s9 =	sor.u32 $0xD0000000, s2;
	s6 =	simm.s32 $0x108;
	_ =	swait.ge @!p0 [sflag:s8], $0x0  }
0x24: {  	s3 =	sadd.s32 $0x88, s3;
	s6 =	simm.s32 @!p1 $0x1082;
	[sflag:s4] =	ssyncset.s32 $0xFFFFF086  }
0x25: {  	[simem:s6], [sflag:s4] =	dma.local [hbm:s3], $0xF7A  }
0x26: {  	[smem:$0x3F9F] =	sst s1;
	(tag) =	ssettag s2;
	_ =	strace s9  }
0x27: {  	s1 =	sld [smem:$0x3FAF]  }
0x28: {  	s2 =	sld [smem:$0x3FB0]  }
0x29: {  	s4 =	sld [smem:$0x3FB2]  }
0x2a: {  	p0 =	seq.s32 s5, $0x0;
	s5 =	sld [smem:$0x3FB3]  }
0x2b: {  	s6 =	sld [smem:$0x3FB4]  }
0x2c: {  	s7 =	sld [smem:$0x3FB5]  }
0x2d: {  	s3 =	simm.s32 $0x108;
	s8 =	sld [smem:$0x3FB6]  }
0x2e: {  	s3 =	simm.s32 @!p0 $0x1082;
	s9 =	sld [smem:$0x3FB7]  }
0x2f: {  	lr =	sadd.s32 s0, s3;
	s0 =	sld [smem:$0x3FAE]  }
0x30: {  	s3 =	sld [smem:$0x3FB1]  }
0x31: {  	[smem:$0x3FBA] =	sst s10  }
0x32: {  	s10 =	sld [smem:$0x3FB8];
	_ =	sdelay $0x3  }
0x33: {  	p0 =	seq.s32 s10, $0x1;
	s10 =	sld [smem:$0x3FBA];
	_ =	sdelay $0x3  }
0x34: {  	[smem:$0x3FBA] =	sst s10  }
0x35: {  	s10 =	sld [smem:$0x3FB9];
	_ =	sdelay $0x3  }
0x36: {  	p1 =	seq.s32 s10, $0x1;
	s10 =	sld [smem:$0x3FBA];
	_ =	sdelay $0x3  }
0x37: {  	[smem:$0x3FBA] =	sst s10  }
0x38: {  	s10 =	sld [smem:$0x3FBB]  }
0x39: {  	_ = 	snop;
	(pc) =	sbr.ind lr, $3  }
0x3a: {  	_ = 	snop  }
0x3b: {  	_ = 	snop  }
0x3c: {  	p2 =	seq.s32 s10, $0x1;
	s10 =	sld [smem:$0x3FBA]  }
0x3d: {  	_ =	shalt  }
0x3e: {  	_ =	shalt  }
0x3f: {  	_ =	shalt  }
0x40: {  	_ =	shalt  }
0x41: {  	_ =	shalt  }
0x42: {  	_ =	shalt  }
0x43: {  	_ =	shalt  }
0x44: {  	_ =	shalt  }
0x45: {  	_ =	shalt  }
0x46: {  	_ =	shalt  }
0x47: {  	_ =	shalt  }
0x48: {  	_ =	shalt  }
0x49: {  	_ =	shalt  }
0x4a: {  	_ =	shalt  }
0x4b: {  	_ =	shalt  }
0x4c: {  	_ =	shalt  }
0x4d: {  	_ =	shalt  }
0x4e: {  	_ =	shalt  }
0x4f: {  	_ =	shalt  }
0x50: {  	_ =	shalt  }
0x51: {  	_ =	shalt  }
0x52: {  	_ =	shalt  }
0x53: {  	_ =	shalt  }
0x54: {  	_ =	shalt  }
0x55: {  	_ =	shalt  }
0x56: {  	_ =	shalt  }
0x57: {  	_ =	shalt  }
0x58: {  	_ =	shalt  }
0x59: {  	_ =	shalt  }
0x5a: {  	_ =	shalt  }
0x5b: {  	_ =	shalt  }
0x5c: {  	_ =	shalt  }
0x5d: {  	_ =	shalt  }
0x5e: {  	_ =	shalt  }
0x5f: {  	_ =	shalt  }
0x60: {  	_ =	shalt  }
0x61: {  	_ =	shalt  }
0x62: {  	_ =	shalt  }
0x63: {  	_ =	shalt  }
0x64: {  	_ =	shalt  }
0x65: {  	_ =	shalt  }
0x66: {  	_ =	shalt  }
0x67: {  	_ =	shalt  }
0x68: {  	_ =	shalt  }
0x69: {  	_ =	shalt  }
0x6a: {  	_ =	shalt  }
0x6b: {  	_ =	shalt  }
0x6c: {  	_ =	shalt  }
0x6d: {  	_ =	shalt  }
0x6e: {  	_ =	shalt  }
0x6f: {  	_ =	shalt  }
0x70: {  	_ =	shalt  }
0x71: {  	_ =	shalt  }
0x72: {  	_ =	shalt  }
0x73: {  	_ =	shalt  }
0x74: {  	_ =	shalt  }
0x75: {  	_ =	shalt  }
0x76: {  	_ =	shalt  }
0x77: {  	_ =	shalt  }
0x78: {  	_ =	shalt  }
0x79: {  	_ =	shalt  }
0x7a: {  	_ =	shalt  }
0x7b: {  	_ =	shalt  }
0x7c: {  	_ =	shalt  }
0x7d: {  	_ =	shalt  }
0x7e: {  	_ =	shalt  }
0x7f: {  	_ =	shalt  }
0x80: {  	_ =	shalt  }
0x81: {  	_ =	shalt  }
0x82: {  	_ =	shalt  }
0x83: {  	_ =	shalt  }
0x84: {  	_ =	shalt  }
0x85: {  	_ =	shalt  }
0x86: {  	_ =	shalt  }
0x87: {  	_ =	shalt  }
.Lfunc_end0:
.L_simem_size_0:
called_computation_lowered:
.L_overlay_start_0:
0x88: {  	s2 =	sld [smem:$0x3FD9]  }
0x89: {  	s3 =	sld [smem:$0x3FFE];
	_ =	sdelay $0x1  }
0x8a: {  	s1 =	srdreg.scid  }
0x8b: {  	s0 =	sand.u32 $0x1, s1  }
0x8c: {  	s17 =	sshll.u32 s0, $0xA;
	s2 =	sadd.s32 s3, s2  }
0x8d: {  	s2 =	sadd.s32 s2, s17  }
0x8e: {  	[smem:$0x3FC6] =	sst s2  }
0x8f: {  	_ = 	snop  }
0x90: {  	s2 =	sld [smem:$0x3FC9]  }
0x91: {  	s18 =	sld [smem:$0x3FD0];
	(tm) =	ssettm $0x1  }
0x92: {  	s4 =	sld [smem:$0x3FFB];
	_ =	sdelay $0x3  }
0x93: {  	_ =	strace s4  }
0x94: {  	s4 =	sld [smem:$0x3FFC];
	_ =	sdelay $0x3  }
0x95: {  	_ =	strace s4  }
0x96: {  	s4 =	sld [smem:$0x3FFD];
	_ =	sdelay $0x3  }
0x97: {  	_ =	strace s4  }
0x98: {  	_ =	strace $0x8FFFFFFF  }
0x99: {  	s19 =	sld [smem:$0x3FDB];
	_ =	sdelay $0x1  }
0x9a: {  	s5 =	simm.s32 $_scs_section_size  }
0x9b: {  	s6 =	simm.s32 $_size__tile_overlayer_lowered;
	s7 =	simm.s32 $_tile_overlayer_lowered  }
0x9c: {  	s22 =	simm.s32 $0x1BFF;
	s21 =	sshll.u32 s7, $0x1;
	s4 =	sadd.s32 s5, s19  }
0x9d: {  	s8 =	simm.s32 $0x0;
	s20 =	sshll.u32 s6, $0x1;
	s6 =	sadd.s32 s21, s4  }
0x9e: {  	[timem:s8], [sflag:s22] =	dma.local [hbm:s6], s20  }
0x9f: {  	_ =	swait.ge [sflag:s22], s20  }
0xa0: {  	s5 =	ssub.s32 $0x0, s20;
	[sflag:s22] =	ssyncset.done $0x0  }
0xa1: {  	[sflag:s22] =	ssyncadd.s32 s5;
	_ =	sdelay $0x1  }
0xa2: {  	s23 =	simm.s32 $0x1B8B  }
0xa3: {  	_ =	swait.ge [sflag:s23], $0x1  }
0xa4: {  	[sflag:s23] =	ssyncset.done $0x0  }
0xa5: {  	s25 =	simm.s32 $0x1B8E;
	s24 =	sld [smem:$0x3FFE];
	[sflag:s23] =	ssyncadd.s32 $0xFFFFFFFF  }
0xa6: {  	s26 =	simm.s32 $execute0_lowered;
	[smem:$0x3FD2] =	sst s25  }
0xa7: {  	s6 =	sshll.u32 s26, $0x1;
	_ =	strace $0x80000046;
	[dreg:$0x1] =	wrdreg $0xFFFFFFFF  }
0xa8: {  	s28 =	simm.s32 $_size_execute0_lowered;
	s4 =	sadd.s32 s4, s6;
	[dreg:$0x0] =	wrdreg $0x0  }
0xa9: {  	s6 =	sshll.u32 s28, $0x1;
	[dreg:$0x2] =	wrdreg s4  }
0xaa: {  	[dreg:$0x3] =	wrdreg s6  }
0xab: {  	[dreg:$0x4] =	wrdreg $0xC0  }
0xac: {  	_ =	task [dreg:s8], $0x5FFFF  }
0xad: {  	[dreg:$0x1] =	wrdreg $0xFFFFFFFF  }
0xae: {  	[dreg:$0x0] =	wrdreg $0x60  }
0xaf: {  	[dreg:$0x2] =	wrdreg s2  }
0xb0: {  	[dreg:$0x3] =	wrdreg s24  }
0xb1: {  	[dreg:$0x4] =	wrdreg s18  }
0xb2: {  	[dreg:$0x5] =	wrdreg $0x9  }
0xb3: {  	_ =	task.clear_ibuf [dreg:s8], $0x6FFFF;
	_ =	strace $0x90000046  }
0xb4: {  	s29 =	simm.s32 $0x9;
	_ =	strace $0x80000048  }
0xb5: {  	_ =	swait.ge [sflag:s29], $0x1  }
0xb6: {  	[sflag:s29] =	ssyncadd.s32 $0xFFFFFFFF  }
0xb7: {  	_ =	strace $0x90000048  }
0xb8: {  	_ =	sfence  }
0xb9: {  	s30 =	sld [smem:$0x0];
	_ =	sdelay $0x2  }
0xba: {  	s31 =	sshll.u32 s1, $0xD;
	s1 =	sshrl.u32 s1, $0x2  }
0xbb: {  	s3 =	sand.u32 $0x4000, s31;
	s1 =	sadd.s32 s1, s30  }
0xbc: {  	s0 =	sor.u32 s3, s0;
	s1 =	sshll.u32 s1, $0x11  }
0xbd: {  	s0 =	sor.u32 s1, s0  }
0xbe: {  	s0 =	sadd.s32 $0x8F2B, s0  }
0xbf: {  	[sflag:s0] =	ssyncadd.remote.s32 $0x1  }
0xc0: {  	_ =	sfence.sel $0xFFFF  }
0xc1: {  	[dreg:$0x0] =	wrdreg $0xFFFFFFFF;
	(pc) =	sbr.abs _section_cstart, $3  }
0xc2: {  	[dreg:$0x1] =	wrdreg $0xFFFFFFFF  }
0xc3: {  	_ =	task.clear_ibuf [dreg:s8], $0x2FFFF;
	_ =	strace $0x9FFFFFFF  }
0xc4: {  	(tm) =	ssettm $0x7FFFFFFF  }
0xc5: {  	_ =	shalt  }
tec
execute0_lowered:
.L_overlay_start_1:
0x0: {  	(tag) =	ssettag $0x1  }
0x1: {  	s0 =	srdreg.scid  }
0x2: {  	s1 =	rddreg [dreg:$0x0];
	s3 =	stileid.u32;
	s0 =	sand.u32 $0x1, s0  }
0x3: {  	s2 =	rddreg [dreg:$0x1];
	s3 =	sshll.u32 s3, $0x9;
	s4 =	sshll.u32 s0, $0x8  }
0x4: {  	s5 =	rddreg [dreg:$0x2];
	s4 =	sor.u32 s4, s3  }
0x5: {  	s3 =	simm.s32 $0x0;
	s6 =	sshrl.u32 s4, $0x3;
	s4 =	sshll.u32 s4, $0x7  }
0x6: {  	[smem:$0x7FF] =	sst s3;
	s2 =	sadd.s32 s6, s2;
	s8 =	sadd.s32 s5, s4  }
0x7: {  	_ =	strace $0x80000047;
	s2 =	sadd.s32 $0x400, s2;
	[dreg:$0x14] =	wrdreg s8  }
0x8: {  	s15 =	sadd.s32 $0x100000, s8;
	[dreg:$0x4] =	wrdreg s2  }
0x9: {  	s16 =	sadd.s32 $0x200000, s8;
	[dreg:$0x5] =	wrdreg s15  }
0xa: {  	s17 =	sadd.s32 $0x300000, s8;
	[dreg:$0x6] =	wrdreg s16  }
0xb: {  	s18 =	sadd.s32 $0x2000, s8;
	[dreg:$0x7] =	wrdreg s17  }
0xc: {  	s19 =	sadd.s32 $0x102000, s8;
	[dreg:$0x8] =	wrdreg s18  }
0xd: {  	s20 =	sadd.s32 $0x202000, s8;
	[dreg:$0x9] =	wrdreg s19  }
0xe: {  	s21 =	sadd.s32 $0x302000, s8;
	[dreg:$0xa] =	wrdreg s20  }
0xf: {  	s9 =	simm.s32 $0x2;
	s22 =	sadd.s32 $0x4000, s8;
	[dreg:$0xb] =	wrdreg s21  }
0x10: {  	s10 =	simm.s32 $0x100;
	s23 =	sadd.s32 $0x104000, s8;
	[dreg:$0xc] =	wrdreg s22  }
0x11: {  	s7 =	sadd.s32 $0x300, s1;
	s24 =	sadd.s32 $0x204000, s8;
	[dreg:$0xd] =	wrdreg s23  }
0x12: {  	s0 =	ssub.s32 $0x2, s0;
	s26 =	sadd.s32 $0x304000, s8;
	[dreg:$0xe] =	wrdreg s24  }
0x13: {  	s25 =	sshrl.u32 s0, $0x1;
	s28 =	sadd.s32 $0x6000, s8;
	[dreg:$0xf] =	wrdreg s26  }
0x14: {  	s0 =	ssub.s32 s0, s25;
	s29 =	sadd.s32 $0x106000, s8;
	[dreg:$0x10] =	wrdreg s28  }
0x15: {  	v2 =	vlaneseq.u32;
	s5 =	sadd.s32 $0x100, s1;
	s30 =	sadd.s32 $0x206000, s8;
	[dreg:$0x11] =	wrdreg s29  }
0x16: {  	vm0 =	vmmov $0xffff;
	v1 =	vshrl.u32 v2, $0x3;
	s6 =	sadd.s32 $0x200, s1;
	s31 =	sadd.s32 $0x306000, s8;
	[dreg:$0x12] =	wrdreg s30  }
0x17: {  	v0 =	vand.u32 $0x7, v2;
	v2 =	vor.u32 $0x8, v2;
	v1 =	vmul.u32 $0x8, v1;
	s8 =	smax.u32 s0, $0x1;
	[dreg:$0x13] =	wrdreg s31;
	s19 =	simm.s32 $0x1  }
.LBB2_1:
0x18: {  	s20 =	rddreg [dreg:$0x4]  }
0x19: {  	[tilespmem:s3], [sflag:$0x2] =	stream.linear.gather [hbm4b:s20+s3], $0x100, $0x38;
	[tilespmem:$0x10100] =	vst v63  }
0x1a: {  	_ =	swait.ge [sflag:s9], $0x100  }
0x1b: {  	[sflag:s9] =	ssyncset.done $0x0  }
0x1c: {  	[sflag:s9] =	ssyncadd.s32 $0xFFFFFF00  }
0x1d: {  	v3 =	vld [tilespmem:$0x0];
	_ =	sdelay $0x4  }
0x1e: {  	v4 =	vshll.u32 v3, $0x3  }
0x1f: {  	v3 =	vand.u32 $0x7, v3;
	v4 =	vand.u32 $0xFFFFFFC0, v4  }
0x20: {  	v3 =	vor.u32 v3, v4  }
0x21: {  	v4 =	vperm.xlane v3, v0;
	_ =	sdelay $0x1  }
0x22: {  	v4 =	vadd.s32 v1, v4;
	_ =	sdelay $0x4  }
0x23: {  	[tilespmem:s10], [sflag:$0x1] =	stream.indirect_vreg.gather [hbm4b:s1+s3], $0x80, v4, vm0, $0xb8;
	[tilespmem:$0x10100] =	vst v63  }
0x24: {  	s0 =	simm.s32 $0x900;
	v3 =	vperm.xlane v3, v2  }
0x25: {  	[tilespmem:s0], [sflag:$0x1] =	stream.indirect_vreg.gather [hbm4b:s5+s3], $0x80, v4, vm0, $0xb8;
	[tilespmem:$0x10100] =	vst v63  }
0x26: {  	s12 =	simm.s32 $0x1100;
	v3 =	vadd.s32 v1, v3  }
0x27: {  	[tilespmem:s12], [sflag:$0x1] =	stream.indirect_vreg.gather [hbm4b:s6+s3], $0x80, v4, vm0, $0xb8;
	[tilespmem:$0x10100] =	vst v63  }
0x28: {  	s13 =	simm.s32 $0x1900  }
0x29: {  	[tilespmem:s13], [sflag:$0x1] =	stream.indirect_vreg.gather [hbm4b:s7+s3], $0x80, v4, vm0, $0xb8;
	[tilespmem:$0x10100] =	vst v63  }
0x2a: {  	s14 =	simm.s32 $0x2100  }
0x2b: {  	[tilespmem:s14], [sflag:$0x1] =	stream.indirect_vreg.gather [hbm4b:s1+s3], $0x80, v3, vm0, $0xb8;
	[tilespmem:$0x10100] =	vst v63  }
0x2c: {  	s16 =	simm.s32 $0x2900  }
0x2d: {  	[tilespmem:s16], [sflag:$0x1] =	stream.indirect_vreg.gather [hbm4b:s5+s3], $0x80, v3, vm0, $0xb8;
	[tilespmem:$0x10100] =	vst v63  }
0x2e: {  	s17 =	simm.s32 $0x3100  }
0x2f: {  	[tilespmem:s17], [sflag:$0x1] =	stream.indirect_vreg.gather [hbm4b:s6+s3], $0x80, v3, vm0, $0xb8;
	[tilespmem:$0x10100] =	vst v63  }
0x30: {  	s18 =	simm.s32 $0x3900  }
0x31: {  	[tilespmem:s18], [sflag:$0x1] =	stream.indirect_vreg.gather [hbm4b:s7+s3], $0x80, v3, vm0, $0xb8;
	[tilespmem:$0x10100] =	vst v63  }
0x32: {  	v3 =	vld [tilespmem:$0x10];
	_ =	sdelay $0x4  }
0x33: {  	v49 =	vshll.u32 v3, $0x3  }
0x34: {  	v3 =	vand.u32 $0x7, v3;
	v4 =	vand.u32 $0xFFFFFFC0, v49  }
0x35: {  	v3 =	vor.u32 v3, v4  }
0x36: {  	v4 =	vperm.xlane v3, v0;
	_ =	sdelay $0x1  }
0x37: {  	v4 =	vadd.s32 v1, v4;
	_ =	sdelay $0x3  }
0x38: {  	s20 =	simm.s32 $0x4100  }
0x39: {  	[tilespmem:s20], [sflag:$0x1] =	stream.indirect_vreg.gather [hbm4b:s1+s3], $0x80, v4, vm0, $0xb8;
	[tilespmem:$0x10100] =	vst v63  }
0x3a: {  	s21 =	simm.s32 $0x4900;
	v3 =	vperm.xlane v3, v2  }
0x3b: {  	[tilespmem:s21], [sflag:$0x1] =	stream.indirect_vreg.gather [hbm4b:s5+s3], $0x80, v4, vm0, $0xb8;
	[tilespmem:$0x10100] =	vst v63  }
0x3c: {  	s22 =	simm.s32 $0x5100;
	v3 =	vadd.s32 v1, v3  }
0x3d: {  	[tilespmem:s22], [sflag:$0x1] =	stream.indirect_vreg.gather [hbm4b:s6+s3], $0x80, v4, vm0, $0xb8;
	[tilespmem:$0x10100] =	vst v63  }
0x3e: {  	s23 =	simm.s32 $0x5900  }
0x3f: {  	[tilespmem:s23], [sflag:$0x1] =	stream.indirect_vreg.gather [hbm4b:s7+s3], $0x80, v4, vm0, $0xb8;
	[tilespmem:$0x10100] =	vst v63  }
0x40: {  	s24 =	simm.s32 $0x6100  }
0x41: {  	[tilespmem:s24], [sflag:$0x1] =	stream.indirect_vreg.gather [hbm4b:s1+s3], $0x80, v3, vm0, $0xb8;
	[tilespmem:$0x10100] =	vst v63  }
0x42: {  	s25 =	simm.s32 $0x6900  }
0x43: {  	[tilespmem:s25], [sflag:$0x1] =	stream.indirect_vreg.gather [hbm4b:s5+s3], $0x80, v3, vm0, $0xb8;
	[tilespmem:$0x10100] =	vst v63  }
0x44: {  	s26 =	simm.s32 $0x7100  }
0x45: {  	[tilespmem:s26], [sflag:$0x1] =	stream.indirect_vreg.gather [hbm4b:s6+s3], $0x80, v3, vm0, $0xb8;
	[tilespmem:$0x10100] =	vst v63  }
0x46: {  	s28 =	simm.s32 $0x7900  }
0x47: {  	[tilespmem:s28], [sflag:$0x1] =	stream.indirect_vreg.gather [hbm4b:s7+s3], $0x80, v3, vm0, $0xb8;
	[tilespmem:$0x10100] =	vst v63  }
0x48: {  	v3 =	vld [tilespmem:$0x20];
	_ =	sdelay $0x4  }
0x49: {  	v50 =	vshll.u32 v3, $0x3  }
0x4a: {  	v3 =	vand.u32 $0x7, v3;
	v4 =	vand.u32 $0xFFFFFFC0, v50  }
0x4b: {  	v3 =	vor.u32 v3, v4  }
0x4c: {  	v4 =	vperm.xlane v3, v0;
	_ =	sdelay $0x1  }
0x4d: {  	v4 =	vadd.s32 v1, v4;
	_ =	sdelay $0x3  }
0x4e: {  	s29 =	simm.s32 $0x8100  }
0x4f: {  	[tilespmem:s29], [sflag:$0x1] =	stream.indirect_vreg.gather [hbm4b:s1+s3], $0x80, v4, vm0, $0xb8;
	[tilespmem:$0x10100] =	vst v63  }
0x50: {  	s30 =	simm.s32 $0x8900;
	v3 =	vperm.xlane v3, v2  }
0x51: {  	[tilespmem:s30], [sflag:$0x1] =	stream.indirect_vreg.gather [hbm4b:s5+s3], $0x80, v4, vm0, $0xb8;
	[tilespmem:$0x10100] =	vst v63  }
0x52: {  	s31 =	simm.s32 $0x9100;
	v3 =	vadd.s32 v1, v3  }
0x53: {  	[tilespmem:s31], [sflag:$0x1] =	stream.indirect_vreg.gather [hbm4b:s6+s3], $0x80, v4, vm0, $0xb8;
	[tilespmem:$0x10100] =	vst v63  }
0x54: {  	s17 =	simm.s32 $0x9900  }
0x55: {  	[tilespmem:s17], [sflag:$0x1] =	stream.indirect_vreg.gather [hbm4b:s7+s3], $0x80, v4, vm0, $0xb8;
	[tilespmem:$0x10100] =	vst v63  }
0x56: {  	s20 =	simm.s32 $0xA100  }
0x57: {  	[tilespmem:s20], [sflag:$0x1] =	stream.indirect_vreg.gather [hbm4b:s1+s3], $0x80, v3, vm0, $0xb8;
	[tilespmem:$0x10100] =	vst v63  }
0x58: {  	s21 =	simm.s32 $0xA900  }
0x59: {  	[tilespmem:s21], [sflag:$0x1] =	stream.indirect_vreg.gather [hbm4b:s5+s3], $0x80, v3, vm0, $0xb8;
	[tilespmem:$0x10100] =	vst v63  }
0x5a: {  	s22 =	simm.s32 $0xB100  }
0x5b: {  	[tilespmem:s22], [sflag:$0x1] =	stream.indirect_vreg.gather [hbm4b:s6+s3], $0x80, v3, vm0, $0xb8;
	[tilespmem:$0x10100] =	vst v63  }
0x5c: {  	s23 =	simm.s32 $0xB900  }
0x5d: {  	[tilespmem:s23], [sflag:$0x1] =	stream.indirect_vreg.gather [hbm4b:s7+s3], $0x80, v3, vm0, $0xb8;
	[tilespmem:$0x10100] =	vst v63  }
0x5e: {  	v3 =	vld [tilespmem:$0x30];
	_ =	sdelay $0x4  }
0x5f: {  	v51 =	vshll.u32 v3, $0x3  }
0x60: {  	v3 =	vand.u32 $0x7, v3;
	v4 =	vand.u32 $0xFFFFFFC0, v51  }
0x61: {  	v3 =	vor.u32 v3, v4  }
0x62: {  	v4 =	vperm.xlane v3, v0;
	_ =	sdelay $0x1  }
0x63: {  	v4 =	vadd.s32 v1, v4;
	_ =	sdelay $0x3  }
0x64: {  	s24 =	simm.s32 $0xC100  }
0x65: {  	[tilespmem:s24], [sflag:$0x1] =	stream.indirect_vreg.gather [hbm4b:s1+s3], $0x80, v4, vm0, $0xb8;
	[tilespmem:$0x10100] =	vst v63  }
0x66: {  	s25 =	simm.s32 $0xC900;
	v3 =	vperm.xlane v3, v2  }
0x67: {  	[tilespmem:s25], [sflag:$0x1] =	stream.indirect_vreg.gather [hbm4b:s5+s3], $0x80, v4, vm0, $0xb8;
	[tilespmem:$0x10100] =	vst v63  }
0x68: {  	s26 =	simm.s32 $0xD100;
	v3 =	vadd.s32 v1, v3  }
0x69: {  	[tilespmem:s26], [sflag:$0x1] =	stream.indirect_vreg.gather [hbm4b:s6+s3], $0x80, v4, vm0, $0xb8;
	[tilespmem:$0x10100] =	vst v63  }
0x6a: {  	s28 =	simm.s32 $0xD900  }
0x6b: {  	[tilespmem:s28], [sflag:$0x1] =	stream.indirect_vreg.gather [hbm4b:s7+s3], $0x80, v4, vm0, $0xb8;
	[tilespmem:$0x10100] =	vst v63  }
0x6c: {  	s29 =	simm.s32 $0xE100  }
0x6d: {  	[tilespmem:s29], [sflag:$0x1] =	stream.indirect_vreg.gather [hbm4b:s1+s3], $0x80, v3, vm0, $0xb8;
	[tilespmem:$0x10100] =	vst v63  }
0x6e: {  	s0 =	simm.s32 $0xE900  }
0x6f: {  	[tilespmem:s0], [sflag:$0x1] =	stream.indirect_vreg.gather [hbm4b:s5+s3], $0x80, v3, vm0, $0xb8;
	[tilespmem:$0x10100] =	vst v63  }
0x70: {  	s17 =	simm.s32 $0xF100  }
0x71: {  	[tilespmem:s17], [sflag:$0x1] =	stream.indirect_vreg.gather [hbm4b:s6+s3], $0x80, v3, vm0, $0xb8;
	[tilespmem:$0x10100] =	vst v63  }
0x72: {  	s24 =	simm.s32 $0xF900  }
0x73: {  	[tilespmem:s24], [sflag:$0x1] =	stream.indirect_vreg.gather [hbm4b:s7+s3], $0x80, v3, vm0, $0xb8;
	[tilespmem:$0x10100] =	vst v63  }
0x74: {  	_ =	swait.ge [sflag:s19], $0x10000  }
0x75: {  	[sflag:s19] =	ssyncset.done $0x0  }
0x76: {  	s0 =	rddreg [dreg:$0x14];
	[sflag:s19] =	ssyncadd.s32 $0xFFFF0000  }
0x77: {  	[hbm4b:s0+s3] =	stream.linear.scatter [tilespmem:s10], [sflag:$0x2], $0x10000, $0x38;
	[tilespmem:$0x10100] =	vst v63  }
0x78: {  	_ =	swait.ge [sflag:s9], $0x10000  }
0x79: {  	[sflag:s9] =	ssyncset.done $0x0  }
0x7a: {  	s17 =	rddreg [dreg:$0x5];
	[sflag:s9] =	ssyncadd.s32 $0xFFFF0000  }
0x7b: {  	[hbm4b:s17+s3] =	stream.linear.scatter [tilespmem:s10], [sflag:$0x2], $0x10000, $0x38;
	[tilespmem:$0x10100] =	vst v63  }
0x7c: {  	_ =	swait.ge [sflag:s9], $0x10000  }
0x7d: {  	[sflag:s9] =	ssyncset.done $0x0  }
0x7e: {  	s0 =	rddreg [dreg:$0x6];
	[sflag:s9] =	ssyncadd.s32 $0xFFFF0000  }
0x7f: {  	[hbm4b:s0+s3] =	stream.linear.scatter [tilespmem:s10], [sflag:$0x2], $0x10000, $0x38;
	[tilespmem:$0x10100] =	vst v63  }
0x80: {  	_ =	swait.ge [sflag:s9], $0x10000  }
0x81: {  	[sflag:s9] =	ssyncset.done $0x0  }
0x82: {  	s17 =	rddreg [dreg:$0x7];
	[sflag:s9] =	ssyncadd.s32 $0xFFFF0000  }
0x83: {  	[hbm4b:s17+s3] =	stream.linear.scatter [tilespmem:s10], [sflag:$0x2], $0x10000, $0x38;
	[tilespmem:$0x10100] =	vst v63  }
0x84: {  	_ =	swait.ge [sflag:s9], $0x10000  }
0x85: {  	[sflag:s9] =	ssyncset.done $0x0  }
0x86: {  	[sflag:s9] =	ssyncadd.s32 $0xFFFF0000  }
0x87: {  	v3 =	vld [tilespmem:$0x40];
	_ =	sdelay $0x4  }
0x88: {  	v52 =	vshll.u32 v3, $0x3  }
0x89: {  	v3 =	vand.u32 $0x7, v3;
	v4 =	vand.u32 $0xFFFFFFC0, v52  }
0x8a: {  	v3 =	vor.u32 v3, v4  }
0x8b: {  	v4 =	vperm.xlane v3, v0;
	_ =	sdelay $0x1  }
0x8c: {  	v4 =	vadd.s32 v1, v4;
	_ =	sdelay $0x4  }
0x8d: {  	[tilespmem:s10], [sflag:$0x1] =	stream.indirect_vreg.gather [hbm4b:s1+s3], $0x80, v4, vm0, $0xb8;
	[tilespmem:$0x10100] =	vst v63  }
0x8e: {  	s15 =	simm.s32 $0x900;
	v3 =	vperm.xlane v3, v2  }
0x8f: {  	[tilespmem:s15], [sflag:$0x1] =	stream.indirect_vreg.gather [hbm4b:s5+s3], $0x80, v4, vm0, $0xb8;
	[tilespmem:$0x10100] =	vst v63  }
0x90: {  	s2 =	simm.s32 $0x1100;
	v3 =	vadd.s32 v1, v3  }
0x91: {  	[tilespmem:s2], [sflag:$0x1] =	stream.indirect_vreg.gather [hbm4b:s6+s3], $0x80, v4, vm0, $0xb8;
	[tilespmem:$0x10100] =	vst v63  }
0x92: {  	s4 =	simm.s32 $0x1900  }
0x93: {  	[tilespmem:s4], [sflag:$0x1] =	stream.indirect_vreg.gather [hbm4b:s7+s3], $0x80, v4, vm0, $0xb8;
	[tilespmem:$0x10100] =	vst v63  }
0x94: {  	s11 =	simm.s32 $0x2100  }
0x95: {  	[tilespmem:s11], [sflag:$0x1] =	stream.indirect_vreg.gather [hbm4b:s1+s3], $0x80, v3, vm0, $0xb8;
	[tilespmem:$0x10100] =	vst v63  }
0x96: {  	s12 =	simm.s32 $0x2900  }
0x97: {  	[tilespmem:s12], [sflag:$0x1] =	stream.indirect_vreg.gather [hbm4b:s5+s3], $0x80, v3, vm0, $0xb8;
	[tilespmem:$0x10100] =	vst v63  }
0x98: {  	s13 =	simm.s32 $0x3100  }
0x99: {  	[tilespmem:s13], [sflag:$0x1] =	stream.indirect_vreg.gather [hbm4b:s6+s3], $0x80, v3, vm0, $0xb8;
	[tilespmem:$0x10100] =	vst v63  }
0x9a: {  	s16 =	simm.s32 $0x3900  }
0x9b: {  	[tilespmem:s16], [sflag:$0x1] =	stream.indirect_vreg.gather [hbm4b:s7+s3], $0x80, v3, vm0, $0xb8;
	[tilespmem:$0x10100] =	vst v63  }
0x9c: {  	v3 =	vld [tilespmem:$0x50];
	_ =	sdelay $0x4  }
0x9d: {  	v53 =	vshll.u32 v3, $0x3  }
0x9e: {  	v3 =	vand.u32 $0x7, v3;
	v4 =	vand.u32 $0xFFFFFFC0, v53  }
0x9f: {  	v3 =	vor.u32 v3, v4  }
0xa0: {  	v4 =	vperm.xlane v3, v0;
	_ =	sdelay $0x1  }
0xa1: {  	v4 =	vadd.s32 v1, v4;
	_ =	sdelay $0x3  }
0xa2: {  	s17 =	simm.s32 $0x4100  }
0xa3: {  	[tilespmem:s17], [sflag:$0x1] =	stream.indirect_vreg.gather [hbm4b:s1+s3], $0x80, v4, vm0, $0xb8;
	[tilespmem:$0x10100] =	vst v63  }
0xa4: {  	s18 =	simm.s32 $0x4900;
	v3 =	vperm.xlane v3, v2  }
0xa5: {  	[tilespmem:s18], [sflag:$0x1] =	stream.indirect_vreg.gather [hbm4b:s5+s3], $0x80, v4, vm0, $0xb8;
	[tilespmem:$0x10100] =	vst v63  }
0xa6: {  	v3 =	vadd.s32 v1, v3;
	s18 =	simm.s32 $0x5100  }
0xa7: {  	[tilespmem:s18], [sflag:$0x1] =	stream.indirect_vreg.gather [hbm4b:s6+s3], $0x80, v4, vm0, $0xb8;
	[tilespmem:$0x10100] =	vst v63  }
0xa8: {  	s2 =	simm.s32 $0x5900  }
0xa9: {  	[tilespmem:s2], [sflag:$0x1] =	stream.indirect_vreg.gather [hbm4b:s7+s3], $0x80, v4, vm0, $0xb8;
	[tilespmem:$0x10100] =	vst v63  }
0xaa: {  	s0 =	simm.s32 $0x6100  }
0xab: {  	[tilespmem:s0], [sflag:$0x1] =	stream.indirect_vreg.gather [hbm4b:s1+s3], $0x80, v3, vm0, $0xb8;
	[tilespmem:$0x10100] =	vst v63  }
0xac: {  	s4 =	simm.s32 $0x6900  }
0xad: {  	[tilespmem:s4], [sflag:$0x1] =	stream.indirect_vreg.gather [hbm4b:s5+s3], $0x80, v3, vm0, $0xb8;
	[tilespmem:$0x10100] =	vst v63  }
0xae: {  	s11 =	simm.s32 $0x7100  }
0xaf: {  	[tilespmem:s11], [sflag:$0x1] =	stream.indirect_vreg.gather [hbm4b:s6+s3], $0x80, v3, vm0, $0xb8;
	[tilespmem:$0x10100] =	vst v63  }
0xb0: {  	s14 =	simm.s32 $0x7900  }
0xb1: {  	[tilespmem:s14], [sflag:$0x1] =	stream.indirect_vreg.gather [hbm4b:s7+s3], $0x80, v3, vm0, $0xb8;
	[tilespmem:$0x10100] =	vst v63  }
0xb2: {  	v3 =	vld [tilespmem:$0x60];
	_ =	sdelay $0x4  }
0xb3: {  	v54 =	vshll.u32 v3, $0x3  }
0xb4: {  	v3 =	vand.u32 $0x7, v3;
	v4 =	vand.u32 $0xFFFFFFC0, v54  }
0xb5: {  	v3 =	vor.u32 v3, v4  }
0xb6: {  	v4 =	vperm.xlane v3, v0;
	_ =	sdelay $0x1  }
0xb7: {  	v4 =	vadd.s32 v1, v4;
	_ =	sdelay $0x3  }
0xb8: {  	s15 =	simm.s32 $0x8100  }
0xb9: {  	[tilespmem:s15], [sflag:$0x1] =	stream.indirect_vreg.gather [hbm4b:s1+s3], $0x80, v4, vm0, $0xb8;
	[tilespmem:$0x10100] =	vst v63  }
0xba: {  	s16 =	simm.s32 $0x8900;
	v3 =	vperm.xlane v3, v2  }
0xbb: {  	[tilespmem:s16], [sflag:$0x1] =	stream.indirect_vreg.gather [hbm4b:s5+s3], $0x80, v4, vm0, $0xb8;
	[tilespmem:$0x10100] =	vst v63  }
0xbc: {  	s12 =	simm.s32 $0x9100;
	v3 =	vadd.s32 v1, v3  }
0xbd: {  	[tilespmem:s12], [sflag:$0x1] =	stream.indirect_vreg.gather [hbm4b:s6+s3], $0x80, v4, vm0, $0xb8;
	[tilespmem:$0x10100] =	vst v63  }
0xbe: {  	s13 =	simm.s32 $0x9900  }
0xbf: {  	[tilespmem:s13], [sflag:$0x1] =	stream.indirect_vreg.gather [hbm4b:s7+s3], $0x80, v4, vm0, $0xb8;
	[tilespmem:$0x10100] =	vst v63  }
0xc0: {  	s14 =	simm.s32 $0xA100  }
0xc1: {  	[tilespmem:s14], [sflag:$0x1] =	stream.indirect_vreg.gather [hbm4b:s1+s3], $0x80, v3, vm0, $0xb8;
	[tilespmem:$0x10100] =	vst v63  }
0xc2: {  	s31 =	simm.s32 $0xA900  }
0xc3: {  	[tilespmem:s31], [sflag:$0x1] =	stream.indirect_vreg.gather [hbm4b:s5+s3], $0x80, v3, vm0, $0xb8;
	[tilespmem:$0x10100] =	vst v63  }
0xc4: {  	s30 =	simm.s32 $0xB100  }
0xc5: {  	[tilespmem:s30], [sflag:$0x1] =	stream.indirect_vreg.gather [hbm4b:s6+s3], $0x80, v3, vm0, $0xb8;
	[tilespmem:$0x10100] =	vst v63  }
0xc6: {  	s21 =	simm.s32 $0xB900  }
0xc7: {  	[tilespmem:s21], [sflag:$0x1] =	stream.indirect_vreg.gather [hbm4b:s7+s3], $0x80, v3, vm0, $0xb8;
	[tilespmem:$0x10100] =	vst v63  }
0xc8: {  	v3 =	vld [tilespmem:$0x70];
	_ =	sdelay $0x4  }
0xc9: {  	v55 =	vshll.u32 v3, $0x3  }
0xca: {  	v3 =	vand.u32 $0x7, v3;
	v4 =	vand.u32 $0xFFFFFFC0, v55  }
0xcb: {  	v3 =	vor.u32 v3, v4  }
0xcc: {  	v4 =	vperm.xlane v3, v0;
	_ =	sdelay $0x1  }
0xcd: {  	v4 =	vadd.s32 v1, v4;
	_ =	sdelay $0x3  }
0xce: {  	s22 =	simm.s32 $0xC100  }
0xcf: {  	[tilespmem:s22], [sflag:$0x1] =	stream.indirect_vreg.gather [hbm4b:s1+s3], $0x80, v4, vm0, $0xb8;
	[tilespmem:$0x10100] =	vst v63  }
0xd0: {  	s23 =	simm.s32 $0xC900;
	v3 =	vperm.xlane v3, v2  }
0xd1: {  	[tilespmem:s23], [sflag:$0x1] =	stream.indirect_vreg.gather [hbm4b:s5+s3], $0x80, v4, vm0, $0xb8;
	[tilespmem:$0x10100] =	vst v63  }
0xd2: {  	v3 =	vadd.s32 v1, v3;
	s23 =	simm.s32 $0xD100  }
0xd3: {  	[tilespmem:s23], [sflag:$0x1] =	stream.indirect_vreg.gather [hbm4b:s6+s3], $0x80, v4, vm0, $0xb8;
	[tilespmem:$0x10100] =	vst v63  }
0xd4: {  	s25 =	simm.s32 $0xD900  }
0xd5: {  	[tilespmem:s25], [sflag:$0x1] =	stream.indirect_vreg.gather [hbm4b:s7+s3], $0x80, v4, vm0, $0xb8;
	[tilespmem:$0x10100] =	vst v63  }
0xd6: {  	s26 =	simm.s32 $0xE100  }
0xd7: {  	[tilespmem:s26], [sflag:$0x1] =	stream.indirect_vreg.gather [hbm4b:s1+s3], $0x80, v3, vm0, $0xb8;
	[tilespmem:$0x10100] =	vst v63  }
0xd8: {  	s28 =	simm.s32 $0xE900  }
0xd9: {  	[tilespmem:s28], [sflag:$0x1] =	stream.indirect_vreg.gather [hbm4b:s5+s3], $0x80, v3, vm0, $0xb8;
	[tilespmem:$0x10100] =	vst v63  }
0xda: {  	s29 =	simm.s32 $0xF100  }
0xdb: {  	[tilespmem:s29], [sflag:$0x1] =	stream.indirect_vreg.gather [hbm4b:s6+s3], $0x80, v3, vm0, $0xb8;
	[tilespmem:$0x10100] =	vst v63  }
0xdc: {  	s24 =	simm.s32 $0xF900  }
0xdd: {  	[tilespmem:s24], [sflag:$0x1] =	stream.indirect_vreg.gather [hbm4b:s7+s3], $0x80, v3, vm0, $0xb8;
	[tilespmem:$0x10100] =	vst v63  }
0xde: {  	_ =	swait.ge [sflag:s19], $0x10000  }
0xdf: {  	[sflag:s19] =	ssyncset.done $0x0  }
0xe0: {  	s24 =	rddreg [dreg:$0x8];
	[sflag:s19] =	ssyncadd.s32 $0xFFFF0000  }
0xe1: {  	[hbm4b:s24+s3] =	stream.linear.scatter [tilespmem:s10], [sflag:$0x2], $0x10000, $0x38;
	[tilespmem:$0x10100] =	vst v63  }
0xe2: {  	_ =	swait.ge [sflag:s9], $0x10000  }
0xe3: {  	[sflag:s9] =	ssyncset.done $0x0  }
0xe4: {  	s25 =	rddreg [dreg:$0x9];
	[sflag:s9] =	ssyncadd.s32 $0xFFFF0000  }
0xe5: {  	[hbm4b:s25+s3] =	stream.linear.scatter [tilespmem:s10], [sflag:$0x2], $0x10000, $0x38;
	[tilespmem:$0x10100] =	vst v63  }
0xe6: {  	_ =	swait.ge [sflag:s9], $0x10000  }
0xe7: {  	[sflag:s9] =	ssyncset.done $0x0  }
0xe8: {  	s29 =	rddreg [dreg:$0xa];
	[sflag:s9] =	ssyncadd.s32 $0xFFFF0000  }
0xe9: {  	[hbm4b:s29+s3] =	stream.linear.scatter [tilespmem:s10], [sflag:$0x2], $0x10000, $0x38;
	[tilespmem:$0x10100] =	vst v63  }
0xea: {  	_ =	swait.ge [sflag:s9], $0x10000  }
0xeb: {  	[sflag:s9] =	ssyncset.done $0x0  }
0xec: {  	s23 =	rddreg [dreg:$0xb];
	[sflag:s9] =	ssyncadd.s32 $0xFFFF0000  }
0xed: {  	[hbm4b:s23+s3] =	stream.linear.scatter [tilespmem:s10], [sflag:$0x2], $0x10000, $0x38;
	[tilespmem:$0x10100] =	vst v63  }
0xee: {  	_ =	swait.ge [sflag:s9], $0x10000  }
0xef: {  	[sflag:s9] =	ssyncset.done $0x0  }
0xf0: {  	[sflag:s9] =	ssyncadd.s32 $0xFFFF0000  }
0xf1: {  	v3 =	vld [tilespmem:$0x80];
	_ =	sdelay $0x4  }
0xf2: {  	v56 =	vshll.u32 v3, $0x3  }
0xf3: {  	v3 =	vand.u32 $0x7, v3;
	v4 =	vand.u32 $0xFFFFFFC0, v56  }
0xf4: {  	v3 =	vor.u32 v3, v4  }
0xf5: {  	v4 =	vperm.xlane v3, v0;
	_ =	sdelay $0x1  }
0xf6: {  	v4 =	vadd.s32 v1, v4;
	_ =	sdelay $0x4  }
0xf7: {  	[tilespmem:s10], [sflag:$0x1] =	stream.indirect_vreg.gather [hbm4b:s1+s3], $0x80, v4, vm0, $0xb8;
	[tilespmem:$0x10100] =	vst v63  }
0xf8: {  	s24 =	simm.s32 $0x900;
	v3 =	vperm.xlane v3, v2  }
0xf9: {  	[tilespmem:s24], [sflag:$0x1] =	stream.indirect_vreg.gather [hbm4b:s5+s3], $0x80, v4, vm0, $0xb8;
	[tilespmem:$0x10100] =	vst v63  }
0xfa: {  	s25 =	simm.s32 $0x1100;
	v3 =	vadd.s32 v1, v3  }
0xfb: {  	[tilespmem:s25], [sflag:$0x1] =	stream.indirect_vreg.gather [hbm4b:s6+s3], $0x80, v4, vm0, $0xb8;
	[tilespmem:$0x10100] =	vst v63  }
0xfc: {  	s29 =	simm.s32 $0x1900  }
0xfd: {  	[tilespmem:s29], [sflag:$0x1] =	stream.indirect_vreg.gather [hbm4b:s7+s3], $0x80, v4, vm0, $0xb8;
	[tilespmem:$0x10100] =	vst v63  }
0xfe: {  	s24 =	simm.s32 $0x2100  }
0xff: {  	[tilespmem:s24], [sflag:$0x1] =	stream.indirect_vreg.gather [hbm4b:s1+s3], $0x80, v3, vm0, $0xb8;
	[tilespmem:$0x10100] =	vst v63  }
0x100: {  	s29 =	simm.s32 $0x2900  }
0x101: {  	[tilespmem:s29], [sflag:$0x1] =	stream.indirect_vreg.gather [hbm4b:s5+s3], $0x80, v3, vm0, $0xb8;
	[tilespmem:$0x10100] =	vst v63  }
0x102: {  	s24 =	simm.s32 $0x3100  }
0x103: {  	[tilespmem:s24], [sflag:$0x1] =	stream.indirect_vreg.gather [hbm4b:s6+s3], $0x80, v3, vm0, $0xb8;
	[tilespmem:$0x10100] =	vst v63  }
0x104: {  	s29 =	simm.s32 $0x3900  }
0x105: {  	[tilespmem:s29], [sflag:$0x1] =	stream.indirect_vreg.gather [hbm4b:s7+s3], $0x80, v3, vm0, $0xb8;
	[tilespmem:$0x10100] =	vst v63  }
0x106: {  	v3 =	vld [tilespmem:$0x90];
	_ =	sdelay $0x4  }
0x107: {  	v57 =	vshll.u32 v3, $0x3  }
0x108: {  	v3 =	vand.u32 $0x7, v3;
	v4 =	vand.u32 $0xFFFFFFC0, v57  }
0x109: {  	v3 =	vor.u32 v3, v4  }
0x10a: {  	v4 =	vperm.xlane v3, v0;
	_ =	sdelay $0x1  }
0x10b: {  	v4 =	vadd.s32 v1, v4;
	_ =	sdelay $0x4  }
0x10c: {  	[tilespmem:s17], [sflag:$0x1] =	stream.indirect_vreg.gather [hbm4b:s1+s3], $0x80, v4, vm0, $0xb8;
	[tilespmem:$0x10100] =	vst v63  }
0x10d: {  	s24 =	simm.s32 $0x4900;
	v3 =	vperm.xlane v3, v2  }
0x10e: {  	[tilespmem:s24], [sflag:$0x1] =	stream.indirect_vreg.gather [hbm4b:s5+s3], $0x80, v4, vm0, $0xb8;
	[tilespmem:$0x10100] =	vst v63  }
0x10f: {  	v3 =	vadd.s32 v1, v3  }
0x110: {  	[tilespmem:s18], [sflag:$0x1] =	stream.indirect_vreg.gather [hbm4b:s6+s3], $0x80, v4, vm0, $0xb8;
	[tilespmem:$0x10100] =	vst v63  }
0x111: {  	_ = 	snop  }
0x112: {  	[tilespmem:s2], [sflag:$0x1] =	stream.indirect_vreg.gather [hbm4b:s7+s3], $0x80, v4, vm0, $0xb8;
	[tilespmem:$0x10100] =	vst v63  }
0x113: {  	_ = 	snop  }
0x114: {  	[tilespmem:s0], [sflag:$0x1] =	stream.indirect_vreg.gather [hbm4b:s1+s3], $0x80, v3, vm0, $0xb8;
	[tilespmem:$0x10100] =	vst v63  }
0x115: {  	_ = 	snop  }
0x116: {  	[tilespmem:s4], [sflag:$0x1] =	stream.indirect_vreg.gather [hbm4b:s5+s3], $0x80, v3, vm0, $0xb8;
	[tilespmem:$0x10100] =	vst v63  }
0x117: {  	_ = 	snop  }
0x118: {  	[tilespmem:s11], [sflag:$0x1] =	stream.indirect_vreg.gather [hbm4b:s6+s3], $0x80, v3, vm0, $0xb8;
	[tilespmem:$0x10100] =	vst v63  }
0x119: {  	s29 =	simm.s32 $0x7900  }
0x11a: {  	[tilespmem:s29], [sflag:$0x1] =	stream.indirect_vreg.gather [hbm4b:s7+s3], $0x80, v3, vm0, $0xb8;
	[tilespmem:$0x10100] =	vst v63  }
0x11b: {  	v3 =	vld [tilespmem:$0xA0];
	_ =	sdelay $0x4  }
0x11c: {  	v58 =	vshll.u32 v3, $0x3  }
0x11d: {  	v3 =	vand.u32 $0x7, v3;
	v4 =	vand.u32 $0xFFFFFFC0, v58  }
0x11e: {  	v3 =	vor.u32 v3, v4  }
0x11f: {  	v4 =	vperm.xlane v3, v0;
	_ =	sdelay $0x1  }
0x120: {  	v4 =	vadd.s32 v1, v4;
	_ =	sdelay $0x4  }
0x121: {  	[tilespmem:s15], [sflag:$0x1] =	stream.indirect_vreg.gather [hbm4b:s1+s3], $0x80, v4, vm0, $0xb8;
	[tilespmem:$0x10100] =	vst v63  }
0x122: {  	v3 =	vperm.xlane v3, v2  }
0x123: {  	[tilespmem:s16], [sflag:$0x1] =	stream.indirect_vreg.gather [hbm4b:s5+s3], $0x80, v4, vm0, $0xb8;
	[tilespmem:$0x10100] =	vst v63  }
0x124: {  	v3 =	vadd.s32 v1, v3  }
0x125: {  	[tilespmem:s12], [sflag:$0x1] =	stream.indirect_vreg.gather [hbm4b:s6+s3], $0x80, v4, vm0, $0xb8;
	[tilespmem:$0x10100] =	vst v63  }
0x126: {  	_ = 	snop  }
0x127: {  	[tilespmem:s13], [sflag:$0x1] =	stream.indirect_vreg.gather [hbm4b:s7+s3], $0x80, v4, vm0, $0xb8;
	[tilespmem:$0x10100] =	vst v63  }
0x128: {  	_ = 	snop  }
0x129: {  	[tilespmem:s14], [sflag:$0x1] =	stream.indirect_vreg.gather [hbm4b:s1+s3], $0x80, v3, vm0, $0xb8;
	[tilespmem:$0x10100] =	vst v63  }
0x12a: {  	s31 =	simm.s32 $0xA900  }
0x12b: {  	[tilespmem:s31], [sflag:$0x1] =	stream.indirect_vreg.gather [hbm4b:s5+s3], $0x80, v3, vm0, $0xb8;
	[tilespmem:$0x10100] =	vst v63  }
0x12c: {  	s30 =	simm.s32 $0xB100  }
0x12d: {  	[tilespmem:s30], [sflag:$0x1] =	stream.indirect_vreg.gather [hbm4b:s6+s3], $0x80, v3, vm0, $0xb8;
	[tilespmem:$0x10100] =	vst v63  }
0x12e: {  	s30 =	simm.s32 $0xB900  }
0x12f: {  	[tilespmem:s30], [sflag:$0x1] =	stream.indirect_vreg.gather [hbm4b:s7+s3], $0x80, v3, vm0, $0xb8;
	[tilespmem:$0x10100] =	vst v63  }
0x130: {  	v3 =	vld [tilespmem:$0xB0];
	_ =	sdelay $0x4  }
0x131: {  	v59 =	vshll.u32 v3, $0x3  }
0x132: {  	v3 =	vand.u32 $0x7, v3;
	v4 =	vand.u32 $0xFFFFFFC0, v59  }
0x133: {  	v3 =	vor.u32 v3, v4  }
0x134: {  	v4 =	vperm.xlane v3, v0;
	_ =	sdelay $0x1  }
0x135: {  	v4 =	vadd.s32 v1, v4;
	_ =	sdelay $0x3  }
0x136: {  	s24 =	simm.s32 $0xC100  }
0x137: {  	[tilespmem:s24], [sflag:$0x1] =	stream.indirect_vreg.gather [hbm4b:s1+s3], $0x80, v4, vm0, $0xb8;
	[tilespmem:$0x10100] =	vst v63  }
0x138: {  	v3 =	vperm.xlane v3, v2;
	s24 =	simm.s32 $0xC900  }
0x139: {  	[tilespmem:s24], [sflag:$0x1] =	stream.indirect_vreg.gather [hbm4b:s5+s3], $0x80, v4, vm0, $0xb8;
	[tilespmem:$0x10100] =	vst v63  }
0x13a: {  	s21 =	simm.s32 $0xD100;
	v3 =	vadd.s32 v1, v3  }
0x13b: {  	[tilespmem:s21], [sflag:$0x1] =	stream.indirect_vreg.gather [hbm4b:s6+s3], $0x80, v4, vm0, $0xb8;
	[tilespmem:$0x10100] =	vst v63  }
0x13c: {  	s22 =	simm.s32 $0xD900  }
0x13d: {  	[tilespmem:s22], [sflag:$0x1] =	stream.indirect_vreg.gather [hbm4b:s7+s3], $0x80, v4, vm0, $0xb8;
	[tilespmem:$0x10100] =	vst v63  }
0x13e: {  	s26 =	simm.s32 $0xE100  }
0x13f: {  	[tilespmem:s26], [sflag:$0x1] =	stream.indirect_vreg.gather [hbm4b:s1+s3], $0x80, v3, vm0, $0xb8;
	[tilespmem:$0x10100] =	vst v63  }
0x140: {  	s28 =	simm.s32 $0xE900  }
0x141: {  	[tilespmem:s28], [sflag:$0x1] =	stream.indirect_vreg.gather [hbm4b:s5+s3], $0x80, v3, vm0, $0xb8;
	[tilespmem:$0x10100] =	vst v63  }
0x142: {  	s28 =	simm.s32 $0xF100  }
0x143: {  	[tilespmem:s28], [sflag:$0x1] =	stream.indirect_vreg.gather [hbm4b:s6+s3], $0x80, v3, vm0, $0xb8;
	[tilespmem:$0x10100] =	vst v63  }
0x144: {  	s20 =	simm.s32 $0xF900  }
0x145: {  	[tilespmem:s20], [sflag:$0x1] =	stream.indirect_vreg.gather [hbm4b:s7+s3], $0x80, v3, vm0, $0xb8;
	[tilespmem:$0x10100] =	vst v63  }
0x146: {  	_ =	swait.ge [sflag:s19], $0x10000  }
0x147: {  	[sflag:s19] =	ssyncset.done $0x0  }
0x148: {  	s20 =	rddreg [dreg:$0xc];
	[sflag:s19] =	ssyncadd.s32 $0xFFFF0000  }
0x149: {  	[hbm4b:s20+s3] =	stream.linear.scatter [tilespmem:s10], [sflag:$0x2], $0x10000, $0x38;
	[tilespmem:$0x10100] =	vst v63  }
0x14a: {  	_ =	swait.ge [sflag:s9], $0x10000  }
0x14b: {  	[sflag:s9] =	ssyncset.done $0x0  }
0x14c: {  	s20 =	rddreg [dreg:$0xd];
	[sflag:s9] =	ssyncadd.s32 $0xFFFF0000  }
0x14d: {  	[hbm4b:s20+s3] =	stream.linear.scatter [tilespmem:s10], [sflag:$0x2], $0x10000, $0x38;
	[tilespmem:$0x10100] =	vst v63  }
0x14e: {  	_ =	swait.ge [sflag:s9], $0x10000  }
0x14f: {  	[sflag:s9] =	ssyncset.done $0x0  }
0x150: {  	s20 =	rddreg [dreg:$0xe];
	[sflag:s9] =	ssyncadd.s32 $0xFFFF0000  }
0x151: {  	[hbm4b:s20+s3] =	stream.linear.scatter [tilespmem:s10], [sflag:$0x2], $0x10000, $0x38;
	[tilespmem:$0x10100] =	vst v63  }
0x152: {  	_ =	swait.ge [sflag:s9], $0x10000  }
0x153: {  	[sflag:s9] =	ssyncset.done $0x0  }
0x154: {  	s20 =	rddreg [dreg:$0xf];
	[sflag:s9] =	ssyncadd.s32 $0xFFFF0000  }
0x155: {  	[hbm4b:s20+s3] =	stream.linear.scatter [tilespmem:s10], [sflag:$0x2], $0x10000, $0x38;
	[tilespmem:$0x10100] =	vst v63  }
0x156: {  	_ =	swait.ge [sflag:s9], $0x10000  }
0x157: {  	[sflag:s9] =	ssyncset.done $0x0  }
0x158: {  	[sflag:s9] =	ssyncadd.s32 $0xFFFF0000  }
0x159: {  	v3 =	vld [tilespmem:$0xC0];
	_ =	sdelay $0x4  }
0x15a: {  	v60 =	vshll.u32 v3, $0x3  }
0x15b: {  	v3 =	vand.u32 $0x7, v3;
	v4 =	vand.u32 $0xFFFFFFC0, v60  }
0x15c: {  	v3 =	vor.u32 v3, v4  }
0x15d: {  	v4 =	vperm.xlane v3, v0;
	_ =	sdelay $0x1  }
0x15e: {  	v4 =	vadd.s32 v1, v4;
	_ =	sdelay $0x4  }
0x15f: {  	[tilespmem:s10], [sflag:$0x1] =	stream.indirect_vreg.gather [hbm4b:s1+s3], $0x80, v4, vm0, $0xb8;
	[tilespmem:$0x10100] =	vst v63  }
0x160: {  	s20 =	simm.s32 $0x900;
	v3 =	vperm.xlane v3, v2  }
0x161: {  	[tilespmem:s20], [sflag:$0x1] =	stream.indirect_vreg.gather [hbm4b:s5+s3], $0x80, v4, vm0, $0xb8;
	[tilespmem:$0x10100] =	vst v63  }
0x162: {  	s23 =	simm.s32 $0x1100;
	v3 =	vadd.s32 v1, v3  }
0x163: {  	[tilespmem:s23], [sflag:$0x1] =	stream.indirect_vreg.gather [hbm4b:s6+s3], $0x80, v4, vm0, $0xb8;
	[tilespmem:$0x10100] =	vst v63  }
0x164: {  	s25 =	simm.s32 $0x1900  }
0x165: {  	[tilespmem:s25], [sflag:$0x1] =	stream.indirect_vreg.gather [hbm4b:s7+s3], $0x80, v4, vm0, $0xb8;
	[tilespmem:$0x10100] =	vst v63  }
0x166: {  	s25 =	simm.s32 $0x2100  }
0x167: {  	[tilespmem:s25], [sflag:$0x1] =	stream.indirect_vreg.gather [hbm4b:s1+s3], $0x80, v3, vm0, $0xb8;
	[tilespmem:$0x10100] =	vst v63  }
0x168: {  	s23 =	simm.s32 $0x2900  }
0x169: {  	[tilespmem:s23], [sflag:$0x1] =	stream.indirect_vreg.gather [hbm4b:s5+s3], $0x80, v3, vm0, $0xb8;
	[tilespmem:$0x10100] =	vst v63  }
0x16a: {  	s25 =	simm.s32 $0x3100  }
0x16b: {  	[tilespmem:s25], [sflag:$0x1] =	stream.indirect_vreg.gather [hbm4b:s6+s3], $0x80, v3, vm0, $0xb8;
	[tilespmem:$0x10100] =	vst v63  }
0x16c: {  	s23 =	simm.s32 $0x3900  }
0x16d: {  	[tilespmem:s23], [sflag:$0x1] =	stream.indirect_vreg.gather [hbm4b:s7+s3], $0x80, v3, vm0, $0xb8;
	[tilespmem:$0x10100] =	vst v63  }
0x16e: {  	v3 =	vld [tilespmem:$0xD0];
	_ =	sdelay $0x4  }
0x16f: {  	v61 =	vshll.u32 v3, $0x3  }
0x170: {  	v3 =	vand.u32 $0x7, v3;
	v4 =	vand.u32 $0xFFFFFFC0, v61  }
0x171: {  	v3 =	vor.u32 v3, v4  }
0x172: {  	v4 =	vperm.xlane v3, v0;
	_ =	sdelay $0x1  }
0x173: {  	v4 =	vadd.s32 v1, v4;
	_ =	sdelay $0x3  }
0x174: {  	s17 =	simm.s32 $0x4100  }
0x175: {  	[tilespmem:s17], [sflag:$0x1] =	stream.indirect_vreg.gather [hbm4b:s1+s3], $0x80, v4, vm0, $0xb8;
	[tilespmem:$0x10100] =	vst v63  }
0x176: {  	s25 =	simm.s32 $0x4900;
	v3 =	vperm.xlane v3, v2  }
0x177: {  	[tilespmem:s25], [sflag:$0x1] =	stream.indirect_vreg.gather [hbm4b:s5+s3], $0x80, v4, vm0, $0xb8;
	[tilespmem:$0x10100] =	vst v63  }
0x178: {  	s18 =	simm.s32 $0x5100;
	v3 =	vadd.s32 v1, v3  }
0x179: {  	[tilespmem:s18], [sflag:$0x1] =	stream.indirect_vreg.gather [hbm4b:s6+s3], $0x80, v4, vm0, $0xb8;
	[tilespmem:$0x10100] =	vst v63  }
0x17a: {  	s2 =	simm.s32 $0x5900  }
0x17b: {  	[tilespmem:s2], [sflag:$0x1] =	stream.indirect_vreg.gather [hbm4b:s7+s3], $0x80, v4, vm0, $0xb8;
	[tilespmem:$0x10100] =	vst v63  }
0x17c: {  	s0 =	simm.s32 $0x6100  }
0x17d: {  	[tilespmem:s0], [sflag:$0x1] =	stream.indirect_vreg.gather [hbm4b:s1+s3], $0x80, v3, vm0, $0xb8;
	[tilespmem:$0x10100] =	vst v63  }
0x17e: {  	s4 =	simm.s32 $0x6900  }
0x17f: {  	[tilespmem:s4], [sflag:$0x1] =	stream.indirect_vreg.gather [hbm4b:s5+s3], $0x80, v3, vm0, $0xb8;
	[tilespmem:$0x10100] =	vst v63  }
0x180: {  	s11 =	simm.s32 $0x7100  }
0x181: {  	[tilespmem:s11], [sflag:$0x1] =	stream.indirect_vreg.gather [hbm4b:s6+s3], $0x80, v3, vm0, $0xb8;
	[tilespmem:$0x10100] =	vst v63  }
0x182: {  	s20 =	simm.s32 $0x7900  }
0x183: {  	[tilespmem:s20], [sflag:$0x1] =	stream.indirect_vreg.gather [hbm4b:s7+s3], $0x80, v3, vm0, $0xb8;
	[tilespmem:$0x10100] =	vst v63  }
0x184: {  	v3 =	vld [tilespmem:$0xE0];
	_ =	sdelay $0x4  }
0x185: {  	v62 =	vshll.u32 v3, $0x3  }
0x186: {  	v3 =	vand.u32 $0x7, v3;
	v4 =	vand.u32 $0xFFFFFFC0, v62  }
0x187: {  	v3 =	vor.u32 v3, v4  }
0x188: {  	v4 =	vperm.xlane v3, v0;
	_ =	sdelay $0x1  }
0x189: {  	v4 =	vadd.s32 v1, v4;
	_ =	sdelay $0x3  }
0x18a: {  	s15 =	simm.s32 $0x8100  }
0x18b: {  	[tilespmem:s15], [sflag:$0x1] =	stream.indirect_vreg.gather [hbm4b:s1+s3], $0x80, v4, vm0, $0xb8;
	[tilespmem:$0x10100] =	vst v63  }
0x18c: {  	s16 =	simm.s32 $0x8900;
	v3 =	vperm.xlane v3, v2  }
0x18d: {  	[tilespmem:s16], [sflag:$0x1] =	stream.indirect_vreg.gather [hbm4b:s5+s3], $0x80, v4, vm0, $0xb8;
	[tilespmem:$0x10100] =	vst v63  }
0x18e: {  	s12 =	simm.s32 $0x9100;
	v3 =	vadd.s32 v1, v3  }
0x18f: {  	[tilespmem:s12], [sflag:$0x1] =	stream.indirect_vreg.gather [hbm4b:s6+s3], $0x80, v4, vm0, $0xb8;
	[tilespmem:$0x10100] =	vst v63  }
0x190: {  	s13 =	simm.s32 $0x9900  }
0x191: {  	[tilespmem:s13], [sflag:$0x1] =	stream.indirect_vreg.gather [hbm4b:s7+s3], $0x80, v4, vm0, $0xb8;
	[tilespmem:$0x10100] =	vst v63  }
0x192: {  	s14 =	simm.s32 $0xA100  }
0x193: {  	[tilespmem:s14], [sflag:$0x1] =	stream.indirect_vreg.gather [hbm4b:s1+s3], $0x80, v3, vm0, $0xb8;
	[tilespmem:$0x10100] =	vst v63  }
0x194: {  	s29 =	simm.s32 $0xA900  }
0x195: {  	[tilespmem:s29], [sflag:$0x1] =	stream.indirect_vreg.gather [hbm4b:s5+s3], $0x80, v3, vm0, $0xb8;
	[tilespmem:$0x10100] =	vst v63  }
0x196: {  	s31 =	simm.s32 $0xB100  }
0x197: {  	[tilespmem:s31], [sflag:$0x1] =	stream.indirect_vreg.gather [hbm4b:s6+s3], $0x80, v3, vm0, $0xb8;
	[tilespmem:$0x10100] =	vst v63  }
0x198: {  	s30 =	simm.s32 $0xB900  }
0x199: {  	[tilespmem:s30], [sflag:$0x1] =	stream.indirect_vreg.gather [hbm4b:s7+s3], $0x80, v3, vm0, $0xb8;
	[tilespmem:$0x10100] =	vst v63  }
0x19a: {  	v3 =	vld [tilespmem:$0xF0];
	_ =	sdelay $0x4  }
0x19b: {  	v63 =	vshll.u32 v3, $0x3  }
0x19c: {  	v3 =	vand.u32 $0x7, v3;
	v4 =	vand.u32 $0xFFFFFFC0, v63  }
0x19d: {  	v3 =	vor.u32 v3, v4  }
0x19e: {  	v4 =	vperm.xlane v3, v0;
	_ =	sdelay $0x1  }
0x19f: {  	v4 =	vadd.s32 v1, v4;
	_ =	sdelay $0x3  }
0x1a0: {  	s23 =	simm.s32 $0xC100  }
0x1a1: {  	[tilespmem:s23], [sflag:$0x1] =	stream.indirect_vreg.gather [hbm4b:s1+s3], $0x80, v4, vm0, $0xb8;
	[tilespmem:$0x10100] =	vst v63  }
0x1a2: {  	s25 =	simm.s32 $0xC900;
	v3 =	vperm.xlane v3, v2  }
0x1a3: {  	[tilespmem:s25], [sflag:$0x1] =	stream.indirect_vreg.gather [hbm4b:s5+s3], $0x80, v4, vm0, $0xb8;
	[tilespmem:$0x10100] =	vst v63  }
0x1a4: {  	s24 =	simm.s32 $0xD100;
	v3 =	vadd.s32 v1, v3  }
0x1a5: {  	[tilespmem:s24], [sflag:$0x1] =	stream.indirect_vreg.gather [hbm4b:s6+s3], $0x80, v4, vm0, $0xb8;
	[tilespmem:$0x10100] =	vst v63  }
0x1a6: {  	s21 =	simm.s32 $0xD900  }
0x1a7: {  	[tilespmem:s21], [sflag:$0x1] =	stream.indirect_vreg.gather [hbm4b:s7+s3], $0x80, v4, vm0, $0xb8;
	[tilespmem:$0x10100] =	vst v63  }
0x1a8: {  	s22 =	simm.s32 $0xE100  }
0x1a9: {  	[tilespmem:s22], [sflag:$0x1] =	stream.indirect_vreg.gather [hbm4b:s1+s3], $0x80, v3, vm0, $0xb8;
	[tilespmem:$0x10100] =	vst v63  }
0x1aa: {  	s26 =	simm.s32 $0xE900  }
0x1ab: {  	[tilespmem:s26], [sflag:$0x1] =	stream.indirect_vreg.gather [hbm4b:s5+s3], $0x80, v3, vm0, $0xb8;
	[tilespmem:$0x10100] =	vst v63  }
0x1ac: {  	s28 =	simm.s32 $0xF100  }
0x1ad: {  	[tilespmem:s28], [sflag:$0x1] =	stream.indirect_vreg.gather [hbm4b:s6+s3], $0x80, v3, vm0, $0xb8;
	[tilespmem:$0x10100] =	vst v63  }
0x1ae: {  	s26 =	simm.s32 $0xF900  }
0x1af: {  	[tilespmem:s26], [sflag:$0x1] =	stream.indirect_vreg.gather [hbm4b:s7+s3], $0x80, v3, vm0, $0xb8;
	[tilespmem:$0x10100] =	vst v63  }
0x1b0: {  	_ =	swait.ge [sflag:s19], $0x10000  }
0x1b1: {  	[sflag:s19] =	ssyncset.done $0x0  }
0x1b2: {  	s28 =	rddreg [dreg:$0x10];
	[sflag:s19] =	ssyncadd.s32 $0xFFFF0000  }
0x1b3: {  	[hbm4b:s28+s3] =	stream.linear.scatter [tilespmem:s10], [sflag:$0x2], $0x10000, $0x38;
	[tilespmem:$0x10100] =	vst v63  }
0x1b4: {  	_ =	swait.ge [sflag:s9], $0x10000  }
0x1b5: {  	[sflag:s9] =	ssyncset.done $0x0  }
0x1b6: {  	s29 =	rddreg [dreg:$0x11];
	[sflag:s9] =	ssyncadd.s32 $0xFFFF0000  }
0x1b7: {  	[hbm4b:s29+s3] =	stream.linear.scatter [tilespmem:s10], [sflag:$0x2], $0x10000, $0x38;
	[tilespmem:$0x10100] =	vst v63  }
0x1b8: {  	_ =	swait.ge [sflag:s9], $0x10000  }
0x1b9: {  	[sflag:s9] =	ssyncset.done $0x0  }
0x1ba: {  	s30 =	rddreg [dreg:$0x12];
	[sflag:s9] =	ssyncadd.s32 $0xFFFF0000  }
0x1bb: {  	[hbm4b:s30+s3] =	stream.linear.scatter [tilespmem:s10], [sflag:$0x2], $0x10000, $0x38;
	[tilespmem:$0x10100] =	vst v63  }
0x1bc: {  	_ =	swait.ge [sflag:s9], $0x10000  }
0x1bd: {  	p0 =	sne.s32 s8, $0x1;
	[sflag:s9] =	ssyncset.done $0x0  }
.Ltmp0:
0x1be: {  	s31 =	rddreg [dreg:$0x13];
	[sflag:s9] =	ssyncadd.s32 $0xFFFF0000;
	(pc) =	sbr.rel @p0 .LBB2_1-.Ltmp0, $4  }
0x1bf: {  	[hbm4b:s31+s3] =	stream.linear.scatter [tilespmem:s10], [sflag:$0x2], $0x10000, $0x38;
	[tilespmem:$0x10100] =	vst v63  }
0x1c0: {  	_ =	swait.ge [sflag:s9], $0x10000  }
0x1c1: {  	[sflag:s9] =	ssyncset.done $0x0  }
0x1c2: {  	s8 =	sadd.s32 $0xFFFFFFFF, s8;
	[sflag:s9] =	ssyncadd.s32 $0xFFFF0000  }
0x1c3: {  	_ =	sfence.sel $0x180000  }
0x1c4: {  	[bflag:$0x0] =	sbarrier.arrive $0xFFFF  }
0x1c5: {  	_ =	strace $0x90000047  }
0x1c6: {  	s0 =	stileid.u32;
	[bflag:$0x2] =	sbarrier.arrive $0xFFFF  }
0x1c7: {  	p0 =	sne.s32 s0, $0x0;
	s0 =	rddreg [dreg:$0x3]  }
0x1c8: {  	s0 =	sadd.s32 @!p0 $0x100000, s0  }
0x1c9: {  	[sflag:s0] =	ssyncadd.tile.s32 @!p0 $0x1;
	_ =	shalt  }
.Lfunc_end2:
_tile_overlayer_lowered:
.L_overlay_start_2:
0x1ca: {  	(tag) =	ssettag $0x2  }
0x1cb: {  	s0 =	rddreg [dreg:$0x0];
	s2 =	stileid.u32  }
0x1cc: {  	s1 =	rddreg [dreg:$0x1];
	p0 =	sne.s32 s2, $0x0  }
0x1cd: {  	s3 =	rddreg [dreg:$0x2];
	[bflag:$0x3] =	sbarrier.arrive $0xFFFF;
	s2 =	simm.s32 @!p0 $0x1C02  }
0x1ce: {  	[timem:s3], [sflag:s2] =	dma.local @!p0 [hbm:s0], s1  }
0x1cf: {  	s0 =	simm.s32 @!p0 $0x2  }
0x1d0: {  	_ =	swait.ge @!p0 [sflag:s0], s1  }
0x1d1: {  	s1 =	ssub.s32 @!p0 $0x0, s1;
	[sflag:s0] =	ssyncset.done @!p0 $0x0  }
0x1d2: {  	[sflag:s0] =	ssyncadd.s32 @!p0 s1  }
0x1d3: {  	[bflag:$0x3] =	sbarrier.arrive $0xFFFF  }
0x1d4: {  	_ =	shalt  }

</sc_bundles>
